<compile_context>
chip_gen: v7x
topology: tpu7x:2x2x1
jax: 0.10.2.dev20260603
libtpu: 0.0.44.dev20260713+nightly
codegen_flags: <defaults>
</compile_context>

<pallas_src>
import functools

import jax
import jax.numpy as jnp
from jax import lax
from jax.experimental import pallas as pl
from jax.experimental.pallas import tpu as pltpu
from jax.experimental.pallas import tpu_sc as plsc

V = 1000
NB = 1024
NT = 50
NC, NS = 2, 16
NW = NC * NS
NBAT = NB // NW
CPI = 64
CG = 56
VP = 1024


def _lse_body(tab_ref, lse_ref):
    x = tab_ref[...]
    m = jnp.max(x, axis=1)
    s = jnp.sum(jnp.exp(x - m[:, None]), axis=1)
    lse_ref[...] = m + jnp.log(s)


def _compute_lse(table):
    return pl.pallas_call(
        _lse_body,
        out_shape=jax.ShapeDtypeStruct((V,), jnp.float32),
    )(table)


_sc_mesh = plsc.VectorSubcoreMesh(core_axis_name="c", subcore_axis_name="s")


@functools.partial(
    pl.kernel,
    out_type=[
        jax.ShapeDtypeStruct((NB, CG, VP), jnp.float32),
        jax.ShapeDtypeStruct((NW, 16), jnp.float32),
    ],
    mesh=_sc_mesh,
    compiler_params=pltpu.CompilerParams(use_tc_tiling_on_sc=True),
    scratch_types=[
        pltpu.VMEM((NBAT * CPI,), jnp.int32),
        pltpu.VMEM((NBAT * CPI,), jnp.int32),
        [pltpu.VMEM((CG, VP), jnp.float32)] * 2,
        [pltpu.VMEM((CG,), jnp.float32)] * 2,
        [pltpu.VMEM((CG,), jnp.float32)] * 2,
        pltpu.VMEM((16,), jnp.float32),
        [pltpu.SemaphoreType.DMA] * 2,
        [pltpu.SemaphoreType.DMA] * 2,
        [pltpu.SemaphoreType.DMA] * 2,
        [pltpu.SemaphoreType.DMA] * 2,
    ],
)
def _sc_gather(idx_hbm, fli_hbm, lse_hbm, table_hbm, tabf_hbm,
               out_hbm, part_hbm,
               idx_v, fli_v, rows_v, tv_v, lv_v, acc_v,
               gsem, ssem, tsem, lsem):
    cid = lax.axis_index("c")
    sid = lax.axis_index("s")
    wid = sid * NC + cid
    bbase = wid * NBAT

    pltpu.sync_copy(idx_hbm.at[pl.ds(wid * NBAT * CPI, NBAT * CPI)], idx_v)
    pltpu.sync_copy(fli_hbm.at[pl.ds(wid * NBAT * CPI, NBAT * CPI)], fli_v)

    def start_gathers(c, s):
        ii = idx_v.at[pl.ds(c * CPI, CG)]
        fl = fli_v.at[pl.ds(c * CPI, CG)]
        pltpu.async_copy(table_hbm.at[ii], rows_v[s], gsem[s])
        pltpu.async_copy(tabf_hbm.at[fl], tv_v[s], tsem[s])
        pltpu.async_copy(lse_hbm.at[ii], lv_v[s], lsem[s])

    def wait_gathers(c, s):
        ii = idx_v.at[pl.ds(c * CPI, CG)]
        fl = fli_v.at[pl.ds(c * CPI, CG)]
        pltpu.make_async_copy(table_hbm.at[ii], rows_v[s], gsem[s]).wait()
        pltpu.make_async_copy(tabf_hbm.at[fl], tv_v[s], tsem[s]).wait()
        pltpu.make_async_copy(lse_hbm.at[ii], lv_v[s], lsem[s]).wait()

    def start_scatter(c, s):
        pltpu.async_copy(rows_v[s], out_hbm.at[bbase + c], ssem[s])

    def wait_scatter(c, s):
        pltpu.make_async_copy(rows_v[s], out_hbm.at[bbase + c], ssem[s]).wait()

    iota16 = lax.iota(jnp.int32, 16)

    def compute(acc, s):
        for j in range(3):
            tv = tv_v[s][pl.ds(j * 16, 16)]
            lv = lv_v[s][pl.ds(j * 16, 16)]
            acc = acc + (lv - tv)
        tv = tv_v[s][pl.ds(40, 16)]
        lv = lv_v[s][pl.ds(40, 16)]
        keep = jnp.logical_and(iota16 >= 8, iota16 < 10)
        return acc + jnp.where(keep, lv - tv, 0.0)

    start_gathers(0, 0)
    start_gathers(1, 1)

    @pl.loop(0, NBAT - 2, step=2, init_carry=jnp.zeros((16,), jnp.float32))
    def acc_loop(g, acc):
        for s in range(2):
            c = g + s
            wait_gathers(c, s)
            acc = compute(acc, s)
            start_scatter(c, s)
            wait_scatter(c, s)
            start_gathers(c + 2, s)
        return acc

    acc = acc_loop
    for s in range(2):
        c = NBAT - 2 + s
        wait_gathers(c, s)
        acc = compute(acc, s)
        pltpu.sync_copy(rows_v[s], out_hbm.at[bbase + c])

    acc_v[...] = acc
    pltpu.sync_copy(acc_v, part_hbm.at[wid])


def kernel(idx, targets, table):
    idx3 = idx.reshape(NW, NBAT, NT).astype(jnp.int32)
    tgt3 = targets.reshape(NW, NBAT, NT).astype(jnp.int32)
    fli3 = idx3 * V + tgt3
    pad = [(0, 0), (0, 0), (0, CPI - NT)]
    idx_f = jnp.pad(idx3, pad).reshape(-1)
    fli_f = jnp.pad(fli3, pad).reshape(-1)
    lse = _compute_lse(table)
    table_p = jnp.pad(table, ((0, 0), (0, VP - V)))
    logits_p, partials = _sc_gather(
        idx_f, fli_f, lse, table_p, table.reshape(-1))
    loss = jnp.sum(partials) / jnp.float32(NB * NT)
    return logits_p[:, :NT, :V], loss

# --- scband reference (transcript-rebuilt; emitter-appended) ---
"""Pipeline reference for scband-bigram-language-model-1666447311337 (READ-ONLY COPY).

The authoritative reference and input builder live on the scoring server;
editing this copy changes nothing except your own understanding.
"""

import jax, jax.numpy as jnp
import numpy as np

VOCAB = 1000
B = 1024
T = 50

def setup_inputs(seed: int = 0) -> dict:
    key = jax.random.key(seed)
    k1, k2, k3 = jax.random.split(key, 3)
    idx = jax.random.randint(k1, (B, T), 0, VOCAB, dtype=jnp.int64) if jax.config.jax_enable_x64 else jax.random.randint(k1, (B, T), 0, VOCAB, dtype=jnp.int32)
    targets = jax.random.randint(k2, (B, T), 0, VOCAB, dtype=jnp.int32)
    table = jax.random.normal(k3, (VOCAB, VOCAB), dtype=jnp.float32)
    return {"idx": idx, "targets": targets, "table": table}

def reference(idx, targets, table):
    # logits = token_embedding_table(idx)  -> [B, T, VOCAB]
    logits = jnp.take(table, idx, axis=0)
    # F.cross_entropy(transpose(logits,1,2), targets): mean NLL over B*T
    logp = jax.nn.log_softmax(logits, axis=-1)
    nll = -jnp.take_along_axis(logp, targets[..., None], axis=-1).squeeze(-1)
    loss = jnp.mean(nll)
    return (logits, loss)

if __name__ == "__main__":
    import jax
    _d = setup_inputs()
    print(jax.jit(kernel)(*tuple(_d.values())))

</pallas_src>

<mosaic_0001>
#map = affine_map<(d0, d1) -> (0)>
#map1 = affine_map<(d0, d1) -> (0, 0)>
#map2 = affine_map<(d0, d1) -> (0, 0, 0)>
module attributes {stable_mosaic.version = 14 : i64} {
  func.func @_sc_gather(%arg0: i32, %arg1: i32, %arg2: memref<65536xi32, #tpu.memory_space<hbm>>, %arg3: memref<65536xi32, #tpu.memory_space<hbm>>, %arg4: memref<1000xf32, #tpu.memory_space<hbm>>, %arg5: memref<1000x1024xf32, #tpu.memory_space<hbm>>, %arg6: memref<1000000xf32, #tpu.memory_space<hbm>>, %arg7: memref<1024x56x1024xf32, #tpu.memory_space<hbm>>, %arg8: memref<32x16xf32, #tpu.memory_space<hbm>>, %arg9: memref<2048xi32, #tpu.memory_space<vmem>>, %arg10: memref<2048xi32, #tpu.memory_space<vmem>>, %arg11: memref<56x1024xf32, #tpu.memory_space<vmem>>, %arg12: memref<56x1024xf32, #tpu.memory_space<vmem>>, %arg13: memref<56xf32, #tpu.memory_space<vmem>>, %arg14: memref<56xf32, #tpu.memory_space<vmem>>, %arg15: memref<56xf32, #tpu.memory_space<vmem>>, %arg16: memref<56xf32, #tpu.memory_space<vmem>>, %arg17: memref<16xf32, #tpu.memory_space<vmem>>, %arg18: memref<!tpu.dma_semaphore, #tpu.memory_space<semaphore_mem>>, %arg19: memref<!tpu.dma_semaphore, #tpu.memory_space<semaphore_mem>>, %arg20: memref<!tpu.dma_semaphore, #tpu.memory_space<semaphore_mem>>, %arg21: memref<!tpu.dma_semaphore, #tpu.memory_space<semaphore_mem>>, %arg22: memref<!tpu.dma_semaphore, #tpu.memory_space<semaphore_mem>>, %arg23: memref<!tpu.dma_semaphore, #tpu.memory_space<semaphore_mem>>, %arg24: memref<!tpu.dma_semaphore, #tpu.memory_space<semaphore_mem>>, %arg25: memref<!tpu.dma_semaphore, #tpu.memory_space<semaphore_mem>>) attributes {dimension_semantics = [#tpu.dimension_semantics<core_parallel>, #tpu.dimension_semantics<subcore_parallel>], iteration_bounds = array<i64: 2, 16>, scalar_prefetch = 0 : i64, scratch_operands = 17 : i64, tpu.core_type = #tpu.core_type<sc_vector_subcore>, window_params = [{transform_indices = #map}, {transform_indices = #map}, {transform_indices = #map}, {transform_indices = #map1}, {transform_indices = #map}, {transform_indices = #map2}, {transform_indices = #map1}]} {
    %mul3A = arith.constant 2 : i32
    %mul3A_0 = arith.muli %arg1, %mul3A : i32
    %add3A = arith.addi %mul3A_0, %arg0 : i32
    %mul3A_1 = arith.constant 32 : i32
    %mul3A_2 = arith.muli %add3A, %mul3A_1 : i32
    %mul3A_3 = arith.constant 32 : i32
    %mul3A_4 = arith.muli %add3A, %mul3A_3 : i32
    %mul3A_5 = arith.constant 64 : i32
    %mul3A_6 = arith.muli %mul3A_4, %mul3A_5 : i32
    "tpu.region"() ({
      %run_scoped3A = tpu.sem_alloc : memref<!tpu.dma_semaphore, #tpu.memory_space<semaphore_mem>>
      %dma_start3A_151 = tpu.memref_slice %arg2[%mul3A_6] : memref<65536xi32, #tpu.memory_space<hbm>> -> memref<2048xi32, #tpu.memory_space<hbm>>
      %dma_start3A_152 = tpu.memref_slice %arg2[%mul3A_6] : memref<65536xi32, #tpu.memory_space<hbm>> -> memref<2048xi32, #tpu.memory_space<hbm>>
      tpu.enqueue_dma source(%dma_start3A_152 : memref<2048xi32, #tpu.memory_space<hbm>>) target(%arg9 : memref<2048xi32, #tpu.memory_space<vmem>>) target_semaphore(%run_scoped3A : memref<!tpu.dma_semaphore, #tpu.memory_space<semaphore_mem>>)
      %dma_wait3A_153 = tpu.memref_slice %arg2[%mul3A_6] : memref<65536xi32, #tpu.memory_space<hbm>> -> memref<2048xi32, #tpu.memory_space<hbm>>
      %dma_wait3A_154 = tpu.memref_slice %arg2[%mul3A_6] : memref<65536xi32, #tpu.memory_space<hbm>> -> memref<2048xi32, #tpu.memory_space<hbm>>
      tpu.wait_dma2 semaphore(%run_scoped3A : memref<!tpu.dma_semaphore, #tpu.memory_space<semaphore_mem>>) src(%dma_wait3A_154 : memref<2048xi32, #tpu.memory_space<hbm>>) dst(%arg9 : memref<2048xi32, #tpu.memory_space<vmem>>)
      tpu.yield
    }) : () -> ()
    %mul3A_7 = arith.constant 32 : i32
    %mul3A_8 = arith.muli %add3A, %mul3A_7 : i32
    %mul3A_9 = arith.constant 64 : i32
    %mul3A_10 = arith.muli %mul3A_8, %mul3A_9 : i32
    "tpu.region"() ({
      %run_scoped3A = tpu.sem_alloc : memref<!tpu.dma_semaphore, #tpu.memory_space<semaphore_mem>>
      %dma_start3A_151 = tpu.memref_slice %arg3[%mul3A_10] : memref<65536xi32, #tpu.memory_space<hbm>> -> memref<2048xi32, #tpu.memory_space<hbm>>
      %dma_start3A_152 = tpu.memref_slice %arg3[%mul3A_10] : memref<65536xi32, #tpu.memory_space<hbm>> -> memref<2048xi32, #tpu.memory_space<hbm>>
      tpu.enqueue_dma source(%dma_start3A_152 : memref<2048xi32, #tpu.memory_space<hbm>>) target(%arg10 : memref<2048xi32, #tpu.memory_space<vmem>>) target_semaphore(%run_scoped3A : memref<!tpu.dma_semaphore, #tpu.memory_space<semaphore_mem>>)
      %dma_wait3A_153 = tpu.memref_slice %arg3[%mul3A_10] : memref<65536xi32, #tpu.memory_space<hbm>> -> memref<2048xi32, #tpu.memory_space<hbm>>
      %dma_wait3A_154 = tpu.memref_slice %arg3[%mul3A_10] : memref<65536xi32, #tpu.memory_space<hbm>> -> memref<2048xi32, #tpu.memory_space<hbm>>
      tpu.wait_dma2 semaphore(%run_scoped3A : memref<!tpu.dma_semaphore, #tpu.memory_space<semaphore_mem>>) src(%dma_wait3A_154 : memref<2048xi32, #tpu.memory_space<hbm>>) dst(%arg10 : memref<2048xi32, #tpu.memory_space<vmem>>)
      tpu.yield
    }) : () -> ()
    %iota3A = tpu.iota {dimensions = array<i32: 0>} : vector<16xi32>
    %dma_start3A = arith.constant 0 : i32
    %dma_start3A_11 = tpu.memref_slice %arg9[%dma_start3A] : memref<2048xi32, #tpu.memory_space<vmem>> -> memref<56xi32, #tpu.memory_space<vmem>>
    %dma_start3A_12 = arith.constant 0 : i32
    %dma_start3A_13 = arith.constant 0 : i32
    %dma_start3A_14 = tpu.memref_slice %arg5[%dma_start3A_12, %dma_start3A_13] : memref<1000x1024xf32, #tpu.memory_space<hbm>> -> memref<1000x1024xf32, #tpu.memory_space<hbm>>
    tpu.enqueue_indirect_dma source(%dma_start3A_14 : memref<1000x1024xf32, #tpu.memory_space<hbm>>) target(%arg11 : memref<56x1024xf32, #tpu.memory_space<vmem>>) offsets(%dma_start3A_11 : memref<56xi32, #tpu.memory_space<vmem>>) semaphore(%arg18 : memref<!tpu.dma_semaphore, #tpu.memory_space<semaphore_mem>>)
    %dma_start3A_15 = arith.constant 0 : i32
    %dma_start3A_16 = tpu.memref_slice %arg10[%dma_start3A_15] : memref<2048xi32, #tpu.memory_space<vmem>> -> memref<56xi32, #tpu.memory_space<vmem>>
    %dma_start3A_17 = arith.constant 0 : i32
    %dma_start3A_18 = tpu.memref_slice %arg6[%dma_start3A_17] : memref<1000000xf32, #tpu.memory_space<hbm>> -> memref<1000000xf32, #tpu.memory_space<hbm>>
    tpu.enqueue_indirect_dma source(%dma_start3A_18 : memref<1000000xf32, #tpu.memory_space<hbm>>) target(%arg13 : memref<56xf32, #tpu.memory_space<vmem>>) offsets(%dma_start3A_16 : memref<56xi32, #tpu.memory_space<vmem>>) semaphore(%arg22 : memref<!tpu.dma_semaphore, #tpu.memory_space<semaphore_mem>>)
    %dma_start3A_19 = arith.constant 0 : i32
    %dma_start3A_20 = tpu.memref_slice %arg9[%dma_start3A_19] : memref<2048xi32, #tpu.memory_space<vmem>> -> memref<56xi32, #tpu.memory_space<vmem>>
    %dma_start3A_21 = arith.constant 0 : i32
    %dma_start3A_22 = tpu.memref_slice %arg4[%dma_start3A_21] : memref<1000xf32, #tpu.memory_space<hbm>> -> memref<1000xf32, #tpu.memory_space<hbm>>
    tpu.enqueue_indirect_dma source(%dma_start3A_22 : memref<1000xf32, #tpu.memory_space<hbm>>) target(%arg15 : memref<56xf32, #tpu.memory_space<vmem>>) offsets(%dma_start3A_20 : memref<56xi32, #tpu.memory_space<vmem>>) semaphore(%arg24 : memref<!tpu.dma_semaphore, #tpu.memory_space<semaphore_mem>>)
    %dma_start3A_23 = arith.constant 64 : i32
    %dma_start3A_24 = tpu.memref_slice %arg9[%dma_start3A_23] : memref<2048xi32, #tpu.memory_space<vmem>> -> memref<56xi32, #tpu.memory_space<vmem>>
    %dma_start3A_25 = arith.constant 0 : i32
    %dma_start3A_26 = arith.constant 0 : i32
    %dma_start3A_27 = tpu.memref_slice %arg5[%dma_start3A_25, %dma_start3A_26] : memref<1000x1024xf32, #tpu.memory_space<hbm>> -> memref<1000x1024xf32, #tpu.memory_space<hbm>>
    tpu.enqueue_indirect_dma source(%dma_start3A_27 : memref<1000x1024xf32, #tpu.memory_space<hbm>>) target(%arg12 : memref<56x1024xf32, #tpu.memory_space<vmem>>) offsets(%dma_start3A_24 : memref<56xi32, #tpu.memory_space<vmem>>) semaphore(%arg19 : memref<!tpu.dma_semaphore, #tpu.memory_space<semaphore_mem>>)
    %dma_start3A_28 = arith.constant 64 : i32
    %dma_start3A_29 = tpu.memref_slice %arg10[%dma_start3A_28] : memref<2048xi32, #tpu.memory_space<vmem>> -> memref<56xi32, #tpu.memory_space<vmem>>
    %dma_start3A_30 = arith.constant 0 : i32
    %dma_start3A_31 = tpu.memref_slice %arg6[%dma_start3A_30] : memref<1000000xf32, #tpu.memory_space<hbm>> -> memref<1000000xf32, #tpu.memory_space<hbm>>
    tpu.enqueue_indirect_dma source(%dma_start3A_31 : memref<1000000xf32, #tpu.memory_space<hbm>>) target(%arg14 : memref<56xf32, #tpu.memory_space<vmem>>) offsets(%dma_start3A_29 : memref<56xi32, #tpu.memory_space<vmem>>) semaphore(%arg23 : memref<!tpu.dma_semaphore, #tpu.memory_space<semaphore_mem>>)
    %dma_start3A_32 = arith.constant 64 : i32
    %dma_start3A_33 = tpu.memref_slice %arg9[%dma_start3A_32] : memref<2048xi32, #tpu.memory_space<vmem>> -> memref<56xi32, #tpu.memory_space<vmem>>
    %dma_start3A_34 = arith.constant 0 : i32
    %dma_start3A_35 = tpu.memref_slice %arg4[%dma_start3A_34] : memref<1000xf32, #tpu.memory_space<hbm>> -> memref<1000xf32, #tpu.memory_space<hbm>>
    tpu.enqueue_indirect_dma source(%dma_start3A_35 : memref<1000xf32, #tpu.memory_space<hbm>>) target(%arg16 : memref<56xf32, #tpu.memory_space<vmem>>) offsets(%dma_start3A_33 : memref<56xi32, #tpu.memory_space<vmem>>) semaphore(%arg25 : memref<!tpu.dma_semaphore, #tpu.memory_space<semaphore_mem>>)
    %broadcast_in_dim3A = arith.constant 0.000000e+00 : f32
    %broadcast_in_dim3A_36 = vector.broadcast %broadcast_in_dim3A : f32 to vector<16xf32>
    %scan3A = arith.constant 0 : i32
    %scan3A_37 = arith.constant 15 : i32
    %scan3A_38 = arith.addi %scan3A, %scan3A_37 : i32
    %scan3A_39 = arith.constant 1 : i32
    %scan3A_40 = scf.for %scan3A_151 = %scan3A to %scan3A_38 step %scan3A_39 iter_args(%scan3A_152 = %broadcast_in_dim3A_36) -> (vector<16xf32>)  : i32 {
      %mul3A_153 = arith.constant 2 : i32
      %mul3A_154 = arith.muli %scan3A_151, %mul3A_153 : i32
      %add3A_155 = arith.constant 0 : i32
      %add3A_156 = arith.addi %add3A_155, %mul3A_154 : i32
      %add3A_157 = arith.constant 0 : i32
      %add3A_158 = arith.addi %add3A_156, %add3A_157 : i32
      %mul3A_159 = arith.constant 64 : i32
      %mul3A_160 = arith.muli %add3A_158, %mul3A_159 : i32
      %mul3A_161 = arith.constant 64 : i32
      %mul3A_162 = arith.muli %add3A_158, %mul3A_161 : i32
      %dma_wait3A_163 = tpu.memref_slice %arg9[%mul3A_160] : memref<2048xi32, #tpu.memory_space<vmem>> -> memref<56xi32, #tpu.memory_space<vmem>>
      %dma_wait3A_164 = arith.constant 0 : i32
      %dma_wait3A_165 = arith.constant 0 : i32
      %dma_wait3A_166 = tpu.memref_slice %arg5[%dma_wait3A_164, %dma_wait3A_165] : memref<1000x1024xf32, #tpu.memory_space<hbm>> -> memref<1000x1024xf32, #tpu.memory_space<hbm>>
      tpu.wait_indirect_dma semaphore(%arg18 : memref<!tpu.dma_semaphore, #tpu.memory_space<semaphore_mem>>) src(%dma_wait3A_166 : memref<1000x1024xf32, #tpu.memory_space<hbm>>) dst(%arg11 : memref<56x1024xf32, #tpu.memory_space<vmem>>)
      %dma_wait3A_167 = tpu.memref_slice %arg10[%mul3A_162] : memref<2048xi32, #tpu.memory_space<vmem>> -> memref<56xi32, #tpu.memory_space<vmem>>
      %dma_wait3A_168 = arith.constant 0 : i32
      %dma_wait3A_169 = tpu.memref_slice %arg6[%dma_wait3A_168] : memref<1000000xf32, #tpu.memory_space<hbm>> -> memref<1000000xf32, #tpu.memory_space<hbm>>
      tpu.wait_indirect_dma semaphore(%arg22 : memref<!tpu.dma_semaphore, #tpu.memory_space<semaphore_mem>>) src(%dma_wait3A_169 : memref<1000000xf32, #tpu.memory_space<hbm>>) dst(%arg13 : memref<56xf32, #tpu.memory_space<vmem>>)
      %dma_wait3A_170 = tpu.memref_slice %arg9[%mul3A_160] : memref<2048xi32, #tpu.memory_space<vmem>> -> memref<56xi32, #tpu.memory_space<vmem>>
      %dma_wait3A_171 = arith.constant 0 : i32
      %dma_wait3A_172 = tpu.memref_slice %arg4[%dma_wait3A_171] : memref<1000xf32, #tpu.memory_space<hbm>> -> memref<1000xf32, #tpu.memory_space<hbm>>
      tpu.wait_indirect_dma semaphore(%arg24 : memref<!tpu.dma_semaphore, #tpu.memory_space<semaphore_mem>>) src(%dma_wait3A_172 : memref<1000xf32, #tpu.memory_space<hbm>>) dst(%arg15 : memref<56xf32, #tpu.memory_space<vmem>>)
      %get3A_173 = arith.constant 0 : index
      %get3A_174 = tpu.vector_load %arg13[%get3A_173] {strides = array<i32>} : memref<56xf32, #tpu.memory_space<vmem>>, vector<16xf32>,
      %get3A_175 = vector.shape_cast %get3A_174 : vector<16xf32> to vector<16xf32>
      %get3A_176 = arith.constant 0 : index
      %get3A_177 = tpu.vector_load %arg15[%get3A_176] {strides = array<i32>} : memref<56xf32, #tpu.memory_space<vmem>>, vector<16xf32>,
      %get3A_178 = vector.shape_cast %get3A_177 : vector<16xf32> to vector<16xf32>
      %sub3A_179 = arith.subf %get3A_178, %get3A_175 : vector<16xf32>
      %add3A_180 = arith.addf %scan3A_152, %sub3A_179 : vector<16xf32>
      %get3A_181 = arith.constant 16 : index
      %get3A_182 = tpu.vector_load %arg13[%get3A_181] {strides = array<i32>} : memref<56xf32, #tpu.memory_space<vmem>>, vector<16xf32>,
      %get3A_183 = vector.shape_cast %get3A_182 : vector<16xf32> to vector<16xf32>
      %get3A_184 = arith.constant 16 : index
      %get3A_185 = tpu.vector_load %arg15[%get3A_184] {strides = array<i32>} : memref<56xf32, #tpu.memory_space<vmem>>, vector<16xf32>,
      %get3A_186 = vector.shape_cast %get3A_185 : vector<16xf32> to vector<16xf32>
      %sub3A_187 = arith.subf %get3A_186, %get3A_183 : vector<16xf32>
      %add3A_188 = arith.addf %add3A_180, %sub3A_187 : vector<16xf32>
      %get3A_189 = arith.constant 32 : index
      %get3A_190 = tpu.vector_load %arg13[%get3A_189] {strides = array<i32>} : memref<56xf32, #tpu.memory_space<vmem>>, vector<16xf32>,
      %get3A_191 = vector.shape_cast %get3A_190 : vector<16xf32> to vector<16xf32>
      %get3A_192 = arith.constant 32 : index
      %get3A_193 = tpu.vector_load %arg15[%get3A_192] {strides = array<i32>} : memref<56xf32, #tpu.memory_space<vmem>>, vector<16xf32>,
      %get3A_194 = vector.shape_cast %get3A_193 : vector<16xf32> to vector<16xf32>
      %sub3A_195 = arith.subf %get3A_194, %get3A_191 : vector<16xf32>
      %add3A_196 = arith.addf %add3A_188, %sub3A_195 : vector<16xf32>
      %get3A_197 = arith.constant 40 : index
      %get3A_198 = tpu.vector_load %arg13[%get3A_197] {strides = array<i32>} : memref<56xf32, #tpu.memory_space<vmem>>, vector<16xf32>,
      %get3A_199 = vector.shape_cast %get3A_198 : vector<16xf32> to vector<16xf32>
      %get3A_200 = arith.constant 40 : index
      %get3A_201 = tpu.vector_load %arg15[%get3A_200] {strides = array<i32>} : memref<56xf32, #tpu.memory_space<vmem>>, vector<16xf32>,
      %get3A_202 = vector.shape_cast %get3A_201 : vector<16xf32> to vector<16xf32>
      %ge3A_203 = arith.constant 8 : i32
      %ge3A_204 = vector.broadcast %ge3A_203 : i32 to vector<16xi32>
      %ge3A_205 = arith.cmpi sge, %iota3A, %ge3A_204 : vector<16xi32>
      %lt3A_206 = arith.constant 10 : i32
      %lt3A_207 = vector.broadcast %lt3A_206 : i32 to vector<16xi32>
      %lt3A_208 = arith.cmpi slt, %iota3A, %lt3A_207 : vector<16xi32>
      %and3A_209 = arith.andi %ge3A_205, %lt3A_208 : vector<16xi1>
      %sub3A_210 = arith.subf %get3A_202, %get3A_199 : vector<16xf32>
      %jit3A_211 = arith.constant 0.000000e+00 : f32
      %broadcast_in_dim3A_212 = vector.broadcast %jit3A_211 : f32 to vector<16xf32>
      %select_n3A_213 = arith.select %and3A_209, %sub3A_210, %broadcast_in_dim3A_212 : vector<16xi1>, vector<16xf32>
      %add3A_214 = arith.addf %add3A_196, %select_n3A_213 : vector<16xf32>
      %add3A_215 = arith.addi %mul3A_2, %add3A_158 : i32
      %dma_start3A_216 = arith.constant 0 : i32
      %dma_start3A_217 = arith.constant 0 : i32
      %dma_start3A_218 = tpu.memref_slice %arg7[%add3A_215, %dma_start3A_216, %dma_start3A_217] : memref<1024x56x1024xf32, #tpu.memory_space<hbm>> -> memref<1x56x1024xf32, #tpu.memory_space<hbm>>
      %dma_start3A_219 = tpu.memref_squeeze %dma_start3A_218 : memref<1x56x1024xf32, #tpu.memory_space<hbm>> -> memref<56x1024xf32, #tpu.memory_space<hbm>>
      %dma_start3A_220 = arith.constant 0 : i32
      %dma_start3A_221 = arith.constant 0 : i32
      %dma_start3A_222 = tpu.memref_slice %arg7[%add3A_215, %dma_start3A_220, %dma_start3A_221] : memref<1024x56x1024xf32, #tpu.memory_space<hbm>> -> memref<1x56x1024xf32, #tpu.memory_space<hbm>>
      %dma_start3A_223 = tpu.memref_squeeze %dma_start3A_222 : memref<1x56x1024xf32, #tpu.memory_space<hbm>> -> memref<56x1024xf32, #tpu.memory_space<hbm>>
      tpu.enqueue_dma source(%arg11 : memref<56x1024xf32, #tpu.memory_space<vmem>>) target(%dma_start3A_223 : memref<56x1024xf32, #tpu.memory_space<hbm>>) target_semaphore(%arg20 : memref<!tpu.dma_semaphore, #tpu.memory_space<semaphore_mem>>)
      %add3A_224 = arith.addi %mul3A_2, %add3A_158 : i32
      %dma_wait3A_225 = arith.constant 0 : i32
      %dma_wait3A_226 = arith.constant 0 : i32
      %dma_wait3A_227 = tpu.memref_slice %arg7[%add3A_224, %dma_wait3A_225, %dma_wait3A_226] : memref<1024x56x1024xf32, #tpu.memory_space<hbm>> -> memref<1x56x1024xf32, #tpu.memory_space<hbm>>
      %dma_wait3A_228 = tpu.memref_squeeze %dma_wait3A_227 : memref<1x56x1024xf32, #tpu.memory_space<hbm>> -> memref<56x1024xf32, #tpu.memory_space<hbm>>
      %dma_wait3A_229 = arith.constant 0 : i32
      %dma_wait3A_230 = arith.constant 0 : i32
      %dma_wait3A_231 = tpu.memref_slice %arg7[%add3A_224, %dma_wait3A_229, %dma_wait3A_230] : memref<1024x56x1024xf32, #tpu.memory_space<hbm>> -> memref<1x56x1024xf32, #tpu.memory_space<hbm>>
      %dma_wait3A_232 = tpu.memref_squeeze %dma_wait3A_231 : memref<1x56x1024xf32, #tpu.memory_space<hbm>> -> memref<56x1024xf32, #tpu.memory_space<hbm>>
      tpu.wait_dma2 semaphore(%arg20 : memref<!tpu.dma_semaphore, #tpu.memory_space<semaphore_mem>>) src(%arg11 : memref<56x1024xf32, #tpu.memory_space<vmem>>) dst(%dma_wait3A_232 : memref<56x1024xf32, #tpu.memory_space<hbm>>)
      %add3A_233 = arith.constant 2 : i32
      %add3A_234 = arith.addi %add3A_158, %add3A_233 : i32
      %mul3A_235 = arith.constant 64 : i32
      %mul3A_236 = arith.muli %add3A_234, %mul3A_235 : i32
      %mul3A_237 = arith.constant 64 : i32
      %mul3A_238 = arith.muli %add3A_234, %mul3A_237 : i32
      %dma_start3A_239 = tpu.memref_slice %arg9[%mul3A_236] : memref<2048xi32, #tpu.memory_space<vmem>> -> memref<56xi32, #tpu.memory_space<vmem>>
      %dma_start3A_240 = arith.constant 0 : i32
      %dma_start3A_241 = arith.constant 0 : i32
      %dma_start3A_242 = tpu.memref_slice %arg5[%dma_start3A_240, %dma_start3A_241] : memref<1000x1024xf32, #tpu.memory_space<hbm>> -> memref<1000x1024xf32, #tpu.memory_space<hbm>>
      tpu.enqueue_indirect_dma source(%dma_start3A_242 : memref<1000x1024xf32, #tpu.memory_space<hbm>>) target(%arg11 : memref<56x1024xf32, #tpu.memory_space<vmem>>) offsets(%dma_start3A_239 : memref<56xi32, #tpu.memory_space<vmem>>) semaphore(%arg18 : memref<!tpu.dma_semaphore, #tpu.memory_space<semaphore_mem>>)
      %dma_start3A_243 = tpu.memref_slice %arg10[%mul3A_238] : memref<2048xi32, #tpu.memory_space<vmem>> -> memref<56xi32, #tpu.memory_space<vmem>>
      %dma_start3A_244 = arith.constant 0 : i32
      %dma_start3A_245 = tpu.memref_slice %arg6[%dma_start3A_244] : memref<1000000xf32, #tpu.memory_space<hbm>> -> memref<1000000xf32, #tpu.memory_space<hbm>>
      tpu.enqueue_indirect_dma source(%dma_start3A_245 : memref<1000000xf32, #tpu.memory_space<hbm>>) target(%arg13 : memref<56xf32, #tpu.memory_space<vmem>>) offsets(%dma_start3A_243 : memref<56xi32, #tpu.memory_space<vmem>>) semaphore(%arg22 : memref<!tpu.dma_semaphore, #tpu.memory_space<semaphore_mem>>)
      %dma_start3A_246 = tpu.memref_slice %arg9[%mul3A_236] : memref<2048xi32, #tpu.memory_space<vmem>> -> memref<56xi32, #tpu.memory_space<vmem>>
      %dma_start3A_247 = arith.constant 0 : i32
      %dma_start3A_248 = tpu.memref_slice %arg4[%dma_start3A_247] : memref<1000xf32, #tpu.memory_space<hbm>> -> memref<1000xf32, #tpu.memory_space<hbm>>
      tpu.enqueue_indirect_dma source(%dma_start3A_248 : memref<1000xf32, #tpu.memory_space<hbm>>) target(%arg15 : memref<56xf32, #tpu.memory_space<vmem>>) offsets(%dma_start3A_246 : memref<56xi32, #tpu.memory_space<vmem>>) semaphore(%arg24 : memref<!tpu.dma_semaphore, #tpu.memory_space<semaphore_mem>>)
      %add3A_249 = arith.constant 1 : i32
      %add3A_250 = arith.addi %add3A_156, %add3A_249 : i32
      %mul3A_251 = arith.constant 64 : i32
      %mul3A_252 = arith.muli %add3A_250, %mul3A_251 : i32
      %mul3A_253 = arith.constant 64 : i32
      %mul3A_254 = arith.muli %add3A_250, %mul3A_253 : i32
      %dma_wait3A_255 = tpu.memref_slice %arg9[%mul3A_252] : memref<2048xi32, #tpu.memory_space<vmem>> -> memref<56xi32, #tpu.memory_space<vmem>>
      %dma_wait3A_256 = arith.constant 0 : i32
      %dma_wait3A_257 = arith.constant 0 : i32
      %dma_wait3A_258 = tpu.memref_slice %arg5[%dma_wait3A_256, %dma_wait3A_257] : memref<1000x1024xf32, #tpu.memory_space<hbm>> -> memref<1000x1024xf32, #tpu.memory_space<hbm>>
      tpu.wait_indirect_dma semaphore(%arg19 : memref<!tpu.dma_semaphore, #tpu.memory_space<semaphore_mem>>) src(%dma_wait3A_258 : memref<1000x1024xf32, #tpu.memory_space<hbm>>) dst(%arg12 : memref<56x1024xf32, #tpu.memory_space<vmem>>)
      %dma_wait3A_259 = tpu.memref_slice %arg10[%mul3A_254] : memref<2048xi32, #tpu.memory_space<vmem>> -> memref<56xi32, #tpu.memory_space<vmem>>
      %dma_wait3A_260 = arith.constant 0 : i32
      %dma_wait3A_261 = tpu.memref_slice %arg6[%dma_wait3A_260] : memref<1000000xf32, #tpu.memory_space<hbm>> -> memref<1000000xf32, #tpu.memory_space<hbm>>
      tpu.wait_indirect_dma semaphore(%arg23 : memref<!tpu.dma_semaphore, #tpu.memory_space<semaphore_mem>>) src(%dma_wait3A_261 : memref<1000000xf32, #tpu.memory_space<hbm>>) dst(%arg14 : memref<56xf32, #tpu.memory_space<vmem>>)
      %dma_wait3A_262 = tpu.memref_slice %arg9[%mul3A_252] : memref<2048xi32, #tpu.memory_space<vmem>> -> memref<56xi32, #tpu.memory_space<vmem>>
      %dma_wait3A_263 = arith.constant 0 : i32
      %dma_wait3A_264 = tpu.memref_slice %arg4[%dma_wait3A_263] : memref<1000xf32, #tpu.memory_space<hbm>> -> memref<1000xf32, #tpu.memory_space<hbm>>
      tpu.wait_indirect_dma semaphore(%arg25 : memref<!tpu.dma_semaphore, #tpu.memory_space<semaphore_mem>>) src(%dma_wait3A_264 : memref<1000xf32, #tpu.memory_space<hbm>>) dst(%arg16 : memref<56xf32, #tpu.memory_space<vmem>>)
      %get3A_265 = arith.constant 0 : index
      %get3A_266 = tpu.vector_load %arg14[%get3A_265] {strides = array<i32>} : memref<56xf32, #tpu.memory_space<vmem>>, vector<16xf32>,
      %get3A_267 = vector.shape_cast %get3A_266 : vector<16xf32> to vector<16xf32>
      %get3A_268 = arith.constant 0 : index
      %get3A_269 = tpu.vector_load %arg16[%get3A_268] {strides = array<i32>} : memref<56xf32, #tpu.memory_space<vmem>>, vector<16xf32>,
      %get3A_270 = vector.shape_cast %get3A_269 : vector<16xf32> to vector<16xf32>
      %sub3A_271 = arith.subf %get3A_270, %get3A_267 : vector<16xf32>
      %add3A_272 = arith.addf %add3A_214, %sub3A_271 : vector<16xf32>
      %get3A_273 = arith.constant 16 : index
      %get3A_274 = tpu.vector_load %arg14[%get3A_273] {strides = array<i32>} : memref<56xf32, #tpu.memory_space<vmem>>, vector<16xf32>,
      %get3A_275 = vector.shape_cast %get3A_274 : vector<16xf32> to vector<16xf32>
      %get3A_276 = arith.constant 16 : index
      %get3A_277 = tpu.vector_load %arg16[%get3A_276] {strides = array<i32>} : memref<56xf32, #tpu.memory_space<vmem>>, vector<16xf32>,
      %get3A_278 = vector.shape_cast %get3A_277 : vector<16xf32> to vector<16xf32>
      %sub3A_279 = arith.subf %get3A_278, %get3A_275 : vector<16xf32>
      %add3A_280 = arith.addf %add3A_272, %sub3A_279 : vector<16xf32>
      %get3A_281 = arith.constant 32 : index
      %get3A_282 = tpu.vector_load %arg14[%get3A_281] {strides = array<i32>} : memref<56xf32, #tpu.memory_space<vmem>>, vector<16xf32>,
      %get3A_283 = vector.shape_cast %get3A_282 : vector<16xf32> to vector<16xf32>
      %get3A_284 = arith.constant 32 : index
      %get3A_285 = tpu.vector_load %arg16[%get3A_284] {strides = array<i32>} : memref<56xf32, #tpu.memory_space<vmem>>, vector<16xf32>,
      %get3A_286 = vector.shape_cast %get3A_285 : vector<16xf32> to vector<16xf32>
      %sub3A_287 = arith.subf %get3A_286, %get3A_283 : vector<16xf32>
      %add3A_288 = arith.addf %add3A_280, %sub3A_287 : vector<16xf32>
      %get3A_289 = arith.constant 40 : index
      %get3A_290 = tpu.vector_load %arg14[%get3A_289] {strides = array<i32>} : memref<56xf32, #tpu.memory_space<vmem>>, vector<16xf32>,
      %get3A_291 = vector.shape_cast %get3A_290 : vector<16xf32> to vector<16xf32>
      %get3A_292 = arith.constant 40 : index
      %get3A_293 = tpu.vector_load %arg16[%get3A_292] {strides = array<i32>} : memref<56xf32, #tpu.memory_space<vmem>>, vector<16xf32>,
      %get3A_294 = vector.shape_cast %get3A_293 : vector<16xf32> to vector<16xf32>
      %ge3A_295 = arith.constant 8 : i32
      %ge3A_296 = vector.broadcast %ge3A_295 : i32 to vector<16xi32>
      %ge3A_297 = arith.cmpi sge, %iota3A, %ge3A_296 : vector<16xi32>
      %lt3A_298 = arith.constant 10 : i32
      %lt3A_299 = vector.broadcast %lt3A_298 : i32 to vector<16xi32>
      %lt3A_300 = arith.cmpi slt, %iota3A, %lt3A_299 : vector<16xi32>
      %and3A_301 = arith.andi %ge3A_297, %lt3A_300 : vector<16xi1>
      %sub3A_302 = arith.subf %get3A_294, %get3A_291 : vector<16xf32>
      %jit3A_303 = arith.constant 0.000000e+00 : f32
      %broadcast_in_dim3A_304 = vector.broadcast %jit3A_303 : f32 to vector<16xf32>
      %select_n3A_305 = arith.select %and3A_301, %sub3A_302, %broadcast_in_dim3A_304 : vector<16xi1>, vector<16xf32>
      %add3A_306 = arith.addf %add3A_288, %select_n3A_305 : vector<16xf32>
      %add3A_307 = arith.addi %mul3A_2, %add3A_250 : i32
      %dma_start3A_308 = arith.constant 0 : i32
      %dma_start3A_309 = arith.constant 0 : i32
      %dma_start3A_310 = tpu.memref_slice %arg7[%add3A_307, %dma_start3A_308, %dma_start3A_309] : memref<1024x56x1024xf32, #tpu.memory_space<hbm>> -> memref<1x56x1024xf32, #tpu.memory_space<hbm>>
      %dma_start3A_311 = tpu.memref_squeeze %dma_start3A_310 : memref<1x56x1024xf32, #tpu.memory_space<hbm>> -> memref<56x1024xf32, #tpu.memory_space<hbm>>
      %dma_start3A_312 = arith.constant 0 : i32
      %dma_start3A_313 = arith.constant 0 : i32
      %dma_start3A_314 = tpu.memref_slice %arg7[%add3A_307, %dma_start3A_312, %dma_start3A_313] : memref<1024x56x1024xf32, #tpu.memory_space<hbm>> -> memref<1x56x1024xf32, #tpu.memory_space<hbm>>
      %dma_start3A_315 = tpu.memref_squeeze %dma_start3A_314 : memref<1x56x1024xf32, #tpu.memory_space<hbm>> -> memref<56x1024xf32, #tpu.memory_space<hbm>>
      tpu.enqueue_dma source(%arg12 : memref<56x1024xf32, #tpu.memory_space<vmem>>) target(%dma_start3A_315 : memref<56x1024xf32, #tpu.memory_space<hbm>>) target_semaphore(%arg21 : memref<!tpu.dma_semaphore, #tpu.memory_space<semaphore_mem>>)
      %add3A_316 = arith.addi %mul3A_2, %add3A_250 : i32
      %dma_wait3A_317 = arith.constant 0 : i32
      %dma_wait3A_318 = arith.constant 0 : i32
      %dma_wait3A_319 = tpu.memref_slice %arg7[%add3A_316, %dma_wait3A_317, %dma_wait3A_318] : memref<1024x56x1024xf32, #tpu.memory_space<hbm>> -> memref<1x56x1024xf32, #tpu.memory_space<hbm>>
      %dma_wait3A_320 = tpu.memref_squeeze %dma_wait3A_319 : memref<1x56x1024xf32, #tpu.memory_space<hbm>> -> memref<56x1024xf32, #tpu.memory_space<hbm>>
      %dma_wait3A_321 = arith.constant 0 : i32
      %dma_wait3A_322 = arith.constant 0 : i32
      %dma_wait3A_323 = tpu.memref_slice %arg7[%add3A_316, %dma_wait3A_321, %dma_wait3A_322] : memref<1024x56x1024xf32, #tpu.memory_space<hbm>> -> memref<1x56x1024xf32, #tpu.memory_space<hbm>>
      %dma_wait3A_324 = tpu.memref_squeeze %dma_wait3A_323 : memref<1x56x1024xf32, #tpu.memory_space<hbm>> -> memref<56x1024xf32, #tpu.memory_space<hbm>>
      tpu.wait_dma2 semaphore(%arg21 : memref<!tpu.dma_semaphore, #tpu.memory_space<semaphore_mem>>) src(%arg12 : memref<56x1024xf32, #tpu.memory_space<vmem>>) dst(%dma_wait3A_324 : memref<56x1024xf32, #tpu.memory_space<hbm>>)
      %add3A_325 = arith.constant 2 : i32
      %add3A_326 = arith.addi %add3A_250, %add3A_325 : i32
      %mul3A_327 = arith.constant 64 : i32
      %mul3A_328 = arith.muli %add3A_326, %mul3A_327 : i32
      %mul3A_329 = arith.constant 64 : i32
      %mul3A_330 = arith.muli %add3A_326, %mul3A_329 : i32
      %dma_start3A_331 = tpu.memref_slice %arg9[%mul3A_328] : memref<2048xi32, #tpu.memory_space<vmem>> -> memref<56xi32, #tpu.memory_space<vmem>>
      %dma_start3A_332 = arith.constant 0 : i32
      %dma_start3A_333 = arith.constant 0 : i32
      %dma_start3A_334 = tpu.memref_slice %arg5[%dma_start3A_332, %dma_start3A_333] : memref<1000x1024xf32, #tpu.memory_space<hbm>> -> memref<1000x1024xf32, #tpu.memory_space<hbm>>
      tpu.enqueue_indirect_dma source(%dma_start3A_334 : memref<1000x1024xf32, #tpu.memory_space<hbm>>) target(%arg12 : memref<56x1024xf32, #tpu.memory_space<vmem>>) offsets(%dma_start3A_331 : memref<56xi32, #tpu.memory_space<vmem>>) semaphore(%arg19 : memref<!tpu.dma_semaphore, #tpu.memory_space<semaphore_mem>>)
      %dma_start3A_335 = tpu.memref_slice %arg10[%mul3A_330] : memref<2048xi32, #tpu.memory_space<vmem>> -> memref<56xi32, #tpu.memory_space<vmem>>
      %dma_start3A_336 = arith.constant 0 : i32
      %dma_start3A_337 = tpu.memref_slice %arg6[%dma_start3A_336] : memref<1000000xf32, #tpu.memory_space<hbm>> -> memref<1000000xf32, #tpu.memory_space<hbm>>
      tpu.enqueue_indirect_dma source(%dma_start3A_337 : memref<1000000xf32, #tpu.memory_space<hbm>>) target(%arg14 : memref<56xf32, #tpu.memory_space<vmem>>) offsets(%dma_start3A_335 : memref<56xi32, #tpu.memory_space<vmem>>) semaphore(%arg23 : memref<!tpu.dma_semaphore, #tpu.memory_space<semaphore_mem>>)
      %dma_start3A_338 = tpu.memref_slice %arg9[%mul3A_328] : memref<2048xi32, #tpu.memory_space<vmem>> -> memref<56xi32, #tpu.memory_space<vmem>>
      %dma_start3A_339 = arith.constant 0 : i32
      %dma_start3A_340 = tpu.memref_slice %arg4[%dma_start3A_339] : memref<1000xf32, #tpu.memory_space<hbm>> -> memref<1000xf32, #tpu.memory_space<hbm>>
      tpu.enqueue_indirect_dma source(%dma_start3A_340 : memref<1000xf32, #tpu.memory_space<hbm>>) target(%arg16 : memref<56xf32, #tpu.memory_space<vmem>>) offsets(%dma_start3A_338 : memref<56xi32, #tpu.memory_space<vmem>>) semaphore(%arg25 : memref<!tpu.dma_semaphore, #tpu.memory_space<semaphore_mem>>)
      scf.yield %add3A_306 : vector<16xf32>
    }
    %scan3A_41 = arith.constant 15 : i32
    %dma_wait3A = arith.constant 1920 : i32
    %dma_wait3A_42 = tpu.memref_slice %arg9[%dma_wait3A] : memref<2048xi32, #tpu.memory_space<vmem>> -> memref<56xi32, #tpu.memory_space<vmem>>
    %dma_wait3A_43 = arith.constant 0 : i32
    %dma_wait3A_44 = arith.constant 0 : i32
    %dma_wait3A_45 = tpu.memref_slice %arg5[%dma_wait3A_43, %dma_wait3A_44] : memref<1000x1024xf32, #tpu.memory_space<hbm>> -> memref<1000x1024xf32, #tpu.memory_space<hbm>>
    tpu.wait_indirect_dma semaphore(%arg18 : memref<!tpu.dma_semaphore, #tpu.memory_space<semaphore_mem>>) src(%dma_wait3A_45 : memref<1000x1024xf32, #tpu.memory_space<hbm>>) dst(%arg11 : memref<56x1024xf32, #tpu.memory_space<vmem>>)
    %dma_wait3A_46 = arith.constant 1920 : i32
    %dma_wait3A_47 = tpu.memref_slice %arg10[%dma_wait3A_46] : memref<2048xi32, #tpu.memory_space<vmem>> -> memref<56xi32, #tpu.memory_space<vmem>>
    %dma_wait3A_48 = arith.constant 0 : i32
    %dma_wait3A_49 = tpu.memref_slice %arg6[%dma_wait3A_48] : memref<1000000xf32, #tpu.memory_space<hbm>> -> memref<1000000xf32, #tpu.memory_space<hbm>>
    tpu.wait_indirect_dma semaphore(%arg22 : memref<!tpu.dma_semaphore, #tpu.memory_space<semaphore_mem>>) src(%dma_wait3A_49 : memref<1000000xf32, #tpu.memory_space<hbm>>) dst(%arg13 : memref<56xf32, #tpu.memory_space<vmem>>)
    %dma_wait3A_50 = arith.constant 1920 : i32
    %dma_wait3A_51 = tpu.memref_slice %arg9[%dma_wait3A_50] : memref<2048xi32, #tpu.memory_space<vmem>> -> memref<56xi32, #tpu.memory_space<vmem>>
    %dma_wait3A_52 = arith.constant 0 : i32
    %dma_wait3A_53 = tpu.memref_slice %arg4[%dma_wait3A_52] : memref<1000xf32, #tpu.memory_space<hbm>> -> memref<1000xf32, #tpu.memory_space<hbm>>
    tpu.wait_indirect_dma semaphore(%arg24 : memref<!tpu.dma_semaphore, #tpu.memory_space<semaphore_mem>>) src(%dma_wait3A_53 : memref<1000xf32, #tpu.memory_space<hbm>>) dst(%arg15 : memref<56xf32, #tpu.memory_space<vmem>>)
    %get3A = arith.constant 0 : index
    %get3A_54 = tpu.vector_load %arg13[%get3A] {strides = array<i32>} : memref<56xf32, #tpu.memory_space<vmem>>, vector<16xf32>,
    %get3A_55 = vector.shape_cast %get3A_54 : vector<16xf32> to vector<16xf32>
    %get3A_56 = arith.constant 0 : index
    %get3A_57 = tpu.vector_load %arg15[%get3A_56] {strides = array<i32>} : memref<56xf32, #tpu.memory_space<vmem>>, vector<16xf32>,
    %get3A_58 = vector.shape_cast %get3A_57 : vector<16xf32> to vector<16xf32>
    %sub3A = arith.subf %get3A_58, %get3A_55 : vector<16xf32>
    %add3A_59 = arith.addf %scan3A_40, %sub3A : vector<16xf32>
    %get3A_60 = arith.constant 16 : index
    %get3A_61 = tpu.vector_load %arg13[%get3A_60] {strides = array<i32>} : memref<56xf32, #tpu.memory_space<vmem>>, vector<16xf32>,
    %get3A_62 = vector.shape_cast %get3A_61 : vector<16xf32> to vector<16xf32>
    %get3A_63 = arith.constant 16 : index
    %get3A_64 = tpu.vector_load %arg15[%get3A_63] {strides = array<i32>} : memref<56xf32, #tpu.memory_space<vmem>>, vector<16xf32>,
    %get3A_65 = vector.shape_cast %get3A_64 : vector<16xf32> to vector<16xf32>
    %sub3A_66 = arith.subf %get3A_65, %get3A_62 : vector<16xf32>
    %add3A_67 = arith.addf %add3A_59, %sub3A_66 : vector<16xf32>
    %get3A_68 = arith.constant 32 : index
    %get3A_69 = tpu.vector_load %arg13[%get3A_68] {strides = array<i32>} : memref<56xf32, #tpu.memory_space<vmem>>, vector<16xf32>,
    %get3A_70 = vector.shape_cast %get3A_69 : vector<16xf32> to vector<16xf32>
    %get3A_71 = arith.constant 32 : index
    %get3A_72 = tpu.vector_load %arg15[%get3A_71] {strides = array<i32>} : memref<56xf32, #tpu.memory_space<vmem>>, vector<16xf32>,
    %get3A_73 = vector.shape_cast %get3A_72 : vector<16xf32> to vector<16xf32>
    %sub3A_74 = arith.subf %get3A_73, %get3A_70 : vector<16xf32>
    %add3A_75 = arith.addf %add3A_67, %sub3A_74 : vector<16xf32>
    %get3A_76 = arith.constant 40 : index
    %get3A_77 = tpu.vector_load %arg13[%get3A_76] {strides = array<i32>} : memref<56xf32, #tpu.memory_space<vmem>>, vector<16xf32>,
    %get3A_78 = vector.shape_cast %get3A_77 : vector<16xf32> to vector<16xf32>
    %get3A_79 = arith.constant 40 : index
    %get3A_80 = tpu.vector_load %arg15[%get3A_79] {strides = array<i32>} : memref<56xf32, #tpu.memory_space<vmem>>, vector<16xf32>,
    %get3A_81 = vector.shape_cast %get3A_80 : vector<16xf32> to vector<16xf32>
    %ge3A = arith.constant 8 : i32
    %ge3A_82 = vector.broadcast %ge3A : i32 to vector<16xi32>
    %ge3A_83 = arith.cmpi sge, %iota3A, %ge3A_82 : vector<16xi32>
    %lt3A = arith.constant 10 : i32
    %lt3A_84 = vector.broadcast %lt3A : i32 to vector<16xi32>
    %lt3A_85 = arith.cmpi slt, %iota3A, %lt3A_84 : vector<16xi32>
    %and3A = arith.andi %ge3A_83, %lt3A_85 : vector<16xi1>
    %sub3A_86 = arith.subf %get3A_81, %get3A_78 : vector<16xf32>
    %jit3A = arith.constant 0.000000e+00 : f32
    %broadcast_in_dim3A_87 = vector.broadcast %jit3A : f32 to vector<16xf32>
    %select_n3A = arith.select %and3A, %sub3A_86, %broadcast_in_dim3A_87 : vector<16xi1>, vector<16xf32>
    %add3A_88 = arith.addf %add3A_75, %select_n3A : vector<16xf32>
    %add3A_89 = arith.constant 30 : i32
    %add3A_90 = arith.addi %mul3A_2, %add3A_89 : i32
    "tpu.region"() ({
      %run_scoped3A = tpu.sem_alloc : memref<!tpu.dma_semaphore, #tpu.memory_space<semaphore_mem>>
      %dma_start3A_151 = arith.constant 0 : i32
      %dma_start3A_152 = arith.constant 0 : i32
      %dma_start3A_153 = tpu.memref_slice %arg7[%add3A_90, %dma_start3A_151, %dma_start3A_152] : memref<1024x56x1024xf32, #tpu.memory_space<hbm>> -> memref<1x56x1024xf32, #tpu.memory_space<hbm>>
      %dma_start3A_154 = tpu.memref_squeeze %dma_start3A_153 : memref<1x56x1024xf32, #tpu.memory_space<hbm>> -> memref<56x1024xf32, #tpu.memory_space<hbm>>
      %dma_start3A_155 = arith.constant 0 : i32
      %dma_start3A_156 = arith.constant 0 : i32
      %dma_start3A_157 = tpu.memref_slice %arg7[%add3A_90, %dma_start3A_155, %dma_start3A_156] : memref<1024x56x1024xf32, #tpu.memory_space<hbm>> -> memref<1x56x1024xf32, #tpu.memory_space<hbm>>
      %dma_start3A_158 = tpu.memref_squeeze %dma_start3A_157 : memref<1x56x1024xf32, #tpu.memory_space<hbm>> -> memref<56x1024xf32, #tpu.memory_space<hbm>>
      tpu.enqueue_dma source(%arg11 : memref<56x1024xf32, #tpu.memory_space<vmem>>) target(%dma_start3A_158 : memref<56x1024xf32, #tpu.memory_space<hbm>>) target_semaphore(%run_scoped3A : memref<!tpu.dma_semaphore, #tpu.memory_space<semaphore_mem>>)
      %dma_wait3A_159 = arith.constant 0 : i32
      %dma_wait3A_160 = arith.constant 0 : i32
      %dma_wait3A_161 = tpu.memref_slice %arg7[%add3A_90, %dma_wait3A_159, %dma_wait3A_160] : memref<1024x56x1024xf32, #tpu.memory_space<hbm>> -> memref<1x56x1024xf32, #tpu.memory_space<hbm>>
      %dma_wait3A_162 = tpu.memref_squeeze %dma_wait3A_161 : memref<1x56x1024xf32, #tpu.memory_space<hbm>> -> memref<56x1024xf32, #tpu.memory_space<hbm>>
      %dma_wait3A_163 = arith.constant 0 : i32
      %dma_wait3A_164 = arith.constant 0 : i32
      %dma_wait3A_165 = tpu.memref_slice %arg7[%add3A_90, %dma_wait3A_163, %dma_wait3A_164] : memref<1024x56x1024xf32, #tpu.memory_space<hbm>> -> memref<1x56x1024xf32, #tpu.memory_space<hbm>>
      %dma_wait3A_166 = tpu.memref_squeeze %dma_wait3A_165 : memref<1x56x1024xf32, #tpu.memory_space<hbm>> -> memref<56x1024xf32, #tpu.memory_space<hbm>>
      tpu.wait_dma2 semaphore(%run_scoped3A : memref<!tpu.dma_semaphore, #tpu.memory_space<semaphore_mem>>) src(%arg11 : memref<56x1024xf32, #tpu.memory_space<vmem>>) dst(%dma_wait3A_166 : memref<56x1024xf32, #tpu.memory_space<hbm>>)
      tpu.yield
    }) : () -> ()
    %dma_wait3A_91 = arith.constant 1984 : i32
    %dma_wait3A_92 = tpu.memref_slice %arg9[%dma_wait3A_91] : memref<2048xi32, #tpu.memory_space<vmem>> -> memref<56xi32, #tpu.memory_space<vmem>>
    %dma_wait3A_93 = arith.constant 0 : i32
    %dma_wait3A_94 = arith.constant 0 : i32
    %dma_wait3A_95 = tpu.memref_slice %arg5[%dma_wait3A_93, %dma_wait3A_94] : memref<1000x1024xf32, #tpu.memory_space<hbm>> -> memref<1000x1024xf32, #tpu.memory_space<hbm>>
    tpu.wait_indirect_dma semaphore(%arg19 : memref<!tpu.dma_semaphore, #tpu.memory_space<semaphore_mem>>) src(%dma_wait3A_95 : memref<1000x1024xf32, #tpu.memory_space<hbm>>) dst(%arg12 : memref<56x1024xf32, #tpu.memory_space<vmem>>)
    %dma_wait3A_96 = arith.constant 1984 : i32
    %dma_wait3A_97 = tpu.memref_slice %arg10[%dma_wait3A_96] : memref<2048xi32, #tpu.memory_space<vmem>> -> memref<56xi32, #tpu.memory_space<vmem>>
    %dma_wait3A_98 = arith.constant 0 : i32
    %dma_wait3A_99 = tpu.memref_slice %arg6[%dma_wait3A_98] : memref<1000000xf32, #tpu.memory_space<hbm>> -> memref<1000000xf32, #tpu.memory_space<hbm>>
    tpu.wait_indirect_dma semaphore(%arg23 : memref<!tpu.dma_semaphore, #tpu.memory_space<semaphore_mem>>) src(%dma_wait3A_99 : memref<1000000xf32, #tpu.memory_space<hbm>>) dst(%arg14 : memref<56xf32, #tpu.memory_space<vmem>>)
    %dma_wait3A_100 = arith.constant 1984 : i32
    %dma_wait3A_101 = tpu.memref_slice %arg9[%dma_wait3A_100] : memref<2048xi32, #tpu.memory_space<vmem>> -> memref<56xi32, #tpu.memory_space<vmem>>
    %dma_wait3A_102 = arith.constant 0 : i32
    %dma_wait3A_103 = tpu.memref_slice %arg4[%dma_wait3A_102] : memref<1000xf32, #tpu.memory_space<hbm>> -> memref<1000xf32, #tpu.memory_space<hbm>>
    tpu.wait_indirect_dma semaphore(%arg25 : memref<!tpu.dma_semaphore, #tpu.memory_space<semaphore_mem>>) src(%dma_wait3A_103 : memref<1000xf32, #tpu.memory_space<hbm>>) dst(%arg16 : memref<56xf32, #tpu.memory_space<vmem>>)
    %get3A_104 = arith.constant 0 : index
    %get3A_105 = tpu.vector_load %arg14[%get3A_104] {strides = array<i32>} : memref<56xf32, #tpu.memory_space<vmem>>, vector<16xf32>,
    %get3A_106 = vector.shape_cast %get3A_105 : vector<16xf32> to vector<16xf32>
    %get3A_107 = arith.constant 0 : index
    %get3A_108 = tpu.vector_load %arg16[%get3A_107] {strides = array<i32>} : memref<56xf32, #tpu.memory_space<vmem>>, vector<16xf32>,
    %get3A_109 = vector.shape_cast %get3A_108 : vector<16xf32> to vector<16xf32>
    %sub3A_110 = arith.subf %get3A_109, %get3A_106 : vector<16xf32>
    %add3A_111 = arith.addf %add3A_88, %sub3A_110 : vector<16xf32>
    %get3A_112 = arith.constant 16 : index
    %get3A_113 = tpu.vector_load %arg14[%get3A_112] {strides = array<i32>} : memref<56xf32, #tpu.memory_space<vmem>>, vector<16xf32>,
    %get3A_114 = vector.shape_cast %get3A_113 : vector<16xf32> to vector<16xf32>
    %get3A_115 = arith.constant 16 : index
    %get3A_116 = tpu.vector_load %arg16[%get3A_115] {strides = array<i32>} : memref<56xf32, #tpu.memory_space<vmem>>, vector<16xf32>,
    %get3A_117 = vector.shape_cast %get3A_116 : vector<16xf32> to vector<16xf32>
    %sub3A_118 = arith.subf %get3A_117, %get3A_114 : vector<16xf32>
    %add3A_119 = arith.addf %add3A_111, %sub3A_118 : vector<16xf32>
    %get3A_120 = arith.constant 32 : index
    %get3A_121 = tpu.vector_load %arg14[%get3A_120] {strides = array<i32>} : memref<56xf32, #tpu.memory_space<vmem>>, vector<16xf32>,
    %get3A_122 = vector.shape_cast %get3A_121 : vector<16xf32> to vector<16xf32>
    %get3A_123 = arith.constant 32 : index
    %get3A_124 = tpu.vector_load %arg16[%get3A_123] {strides = array<i32>} : memref<56xf32, #tpu.memory_space<vmem>>, vector<16xf32>,
    %get3A_125 = vector.shape_cast %get3A_124 : vector<16xf32> to vector<16xf32>
    %sub3A_126 = arith.subf %get3A_125, %get3A_122 : vector<16xf32>
    %add3A_127 = arith.addf %add3A_119, %sub3A_126 : vector<16xf32>
    %get3A_128 = arith.constant 40 : index
    %get3A_129 = tpu.vector_load %arg14[%get3A_128] {strides = array<i32>} : memref<56xf32, #tpu.memory_space<vmem>>, vector<16xf32>,
    %get3A_130 = vector.shape_cast %get3A_129 : vector<16xf32> to vector<16xf32>
    %get3A_131 = arith.constant 40 : index
    %get3A_132 = tpu.vector_load %arg16[%get3A_131] {strides = array<i32>} : memref<56xf32, #tpu.memory_space<vmem>>, vector<16xf32>,
    %get3A_133 = vector.shape_cast %get3A_132 : vector<16xf32> to vector<16xf32>
    %ge3A_134 = arith.constant 8 : i32
    %ge3A_135 = vector.broadcast %ge3A_134 : i32 to vector<16xi32>
    %ge3A_136 = arith.cmpi sge, %iota3A, %ge3A_135 : vector<16xi32>
    %lt3A_137 = arith.constant 10 : i32
    %lt3A_138 = vector.broadcast %lt3A_137 : i32 to vector<16xi32>
    %lt3A_139 = arith.cmpi slt, %iota3A, %lt3A_138 : vector<16xi32>
    %and3A_140 = arith.andi %ge3A_136, %lt3A_139 : vector<16xi1>
    %sub3A_141 = arith.subf %get3A_133, %get3A_130 : vector<16xf32>
    %jit3A_142 = arith.constant 0.000000e+00 : f32
    %broadcast_in_dim3A_143 = vector.broadcast %jit3A_142 : f32 to vector<16xf32>
    %select_n3A_144 = arith.select %and3A_140, %sub3A_141, %broadcast_in_dim3A_143 : vector<16xi1>, vector<16xf32>
    %add3A_145 = arith.addf %add3A_127, %select_n3A_144 : vector<16xf32>
    %add3A_146 = arith.constant 31 : i32
    %add3A_147 = arith.addi %mul3A_2, %add3A_146 : i32
    "tpu.region"() ({
      %run_scoped3A = tpu.sem_alloc : memref<!tpu.dma_semaphore, #tpu.memory_space<semaphore_mem>>
      %dma_start3A_151 = arith.constant 0 : i32
      %dma_start3A_152 = arith.constant 0 : i32
      %dma_start3A_153 = tpu.memref_slice %arg7[%add3A_147, %dma_start3A_151, %dma_start3A_152] : memref<1024x56x1024xf32, #tpu.memory_space<hbm>> -> memref<1x56x1024xf32, #tpu.memory_space<hbm>>
      %dma_start3A_154 = tpu.memref_squeeze %dma_start3A_153 : memref<1x56x1024xf32, #tpu.memory_space<hbm>> -> memref<56x1024xf32, #tpu.memory_space<hbm>>
      %dma_start3A_155 = arith.constant 0 : i32
      %dma_start3A_156 = arith.constant 0 : i32
      %dma_start3A_157 = tpu.memref_slice %arg7[%add3A_147, %dma_start3A_155, %dma_start3A_156] : memref<1024x56x1024xf32, #tpu.memory_space<hbm>> -> memref<1x56x1024xf32, #tpu.memory_space<hbm>>
      %dma_start3A_158 = tpu.memref_squeeze %dma_start3A_157 : memref<1x56x1024xf32, #tpu.memory_space<hbm>> -> memref<56x1024xf32, #tpu.memory_space<hbm>>
      tpu.enqueue_dma source(%arg12 : memref<56x1024xf32, #tpu.memory_space<vmem>>) target(%dma_start3A_158 : memref<56x1024xf32, #tpu.memory_space<hbm>>) target_semaphore(%run_scoped3A : memref<!tpu.dma_semaphore, #tpu.memory_space<semaphore_mem>>)
      %dma_wait3A_159 = arith.constant 0 : i32
      %dma_wait3A_160 = arith.constant 0 : i32
      %dma_wait3A_161 = tpu.memref_slice %arg7[%add3A_147, %dma_wait3A_159, %dma_wait3A_160] : memref<1024x56x1024xf32, #tpu.memory_space<hbm>> -> memref<1x56x1024xf32, #tpu.memory_space<hbm>>
      %dma_wait3A_162 = tpu.memref_squeeze %dma_wait3A_161 : memref<1x56x1024xf32, #tpu.memory_space<hbm>> -> memref<56x1024xf32, #tpu.memory_space<hbm>>
      %dma_wait3A_163 = arith.constant 0 : i32
      %dma_wait3A_164 = arith.constant 0 : i32
      %dma_wait3A_165 = tpu.memref_slice %arg7[%add3A_147, %dma_wait3A_163, %dma_wait3A_164] : memref<1024x56x1024xf32, #tpu.memory_space<hbm>> -> memref<1x56x1024xf32, #tpu.memory_space<hbm>>
      %dma_wait3A_166 = tpu.memref_squeeze %dma_wait3A_165 : memref<1x56x1024xf32, #tpu.memory_space<hbm>> -> memref<56x1024xf32, #tpu.memory_space<hbm>>
      tpu.wait_dma2 semaphore(%run_scoped3A : memref<!tpu.dma_semaphore, #tpu.memory_space<semaphore_mem>>) src(%arg12 : memref<56x1024xf32, #tpu.memory_space<vmem>>) dst(%dma_wait3A_166 : memref<56x1024xf32, #tpu.memory_space<hbm>>)
      tpu.yield
    }) : () -> ()
    %swap3A = arith.constant 0 : index
    %swap3A_148 = tpu.vector_load %arg17[%swap3A] {strides = array<i32>} : memref<16xf32, #tpu.memory_space<vmem>>, vector<16xf32>,
    %swap3A_149 = vector.shape_cast %swap3A_148 : vector<16xf32> to vector<16xf32>
    %swap3A_150 = vector.shape_cast %add3A_145 : vector<16xf32> to vector<16xf32>
    tpu.vector_store %arg17[%swap3A], %swap3A_150 {strides = array<i32>} : memref<16xf32, #tpu.memory_space<vmem>>, vector<16xf32>,
    "tpu.region"() ({
      %run_scoped3A = tpu.sem_alloc : memref<!tpu.dma_semaphore, #tpu.memory_space<semaphore_mem>>
      %dma_start3A_151 = arith.constant 0 : i32
      %dma_start3A_152 = tpu.memref_slice %arg8[%add3A, %dma_start3A_151] : memref<32x16xf32, #tpu.memory_space<hbm>> -> memref<1x16xf32, #tpu.memory_space<hbm>>
      %dma_start3A_153 = tpu.memref_squeeze %dma_start3A_152 : memref<1x16xf32, #tpu.memory_space<hbm>> -> memref<16xf32, #tpu.memory_space<hbm>>
      %dma_start3A_154 = arith.constant 0 : i32
      %dma_start3A_155 = tpu.memref_slice %arg8[%add3A, %dma_start3A_154] : memref<32x16xf32, #tpu.memory_space<hbm>> -> memref<1x16xf32, #tpu.memory_space<hbm>>
      %dma_start3A_156 = tpu.memref_squeeze %dma_start3A_155 : memref<1x16xf32, #tpu.memory_space<hbm>> -> memref<16xf32, #tpu.memory_space<hbm>>
      tpu.enqueue_dma source(%arg17 : memref<16xf32, #tpu.memory_space<vmem>>) target(%dma_start3A_156 : memref<16xf32, #tpu.memory_space<hbm>>) target_semaphore(%run_scoped3A : memref<!tpu.dma_semaphore, #tpu.memory_space<semaphore_mem>>)
      %dma_wait3A_157 = arith.constant 0 : i32
      %dma_wait3A_158 = tpu.memref_slice %arg8[%add3A, %dma_wait3A_157] : memref<32x16xf32, #tpu.memory_space<hbm>> -> memref<1x16xf32, #tpu.memory_space<hbm>>
      %dma_wait3A_159 = tpu.memref_squeeze %dma_wait3A_158 : memref<1x16xf32, #tpu.memory_space<hbm>> -> memref<16xf32, #tpu.memory_space<hbm>>
      %dma_wait3A_160 = arith.constant 0 : i32
      %dma_wait3A_161 = tpu.memref_slice %arg8[%add3A, %dma_wait3A_160] : memref<32x16xf32, #tpu.memory_space<hbm>> -> memref<1x16xf32, #tpu.memory_space<hbm>>
      %dma_wait3A_162 = tpu.memref_squeeze %dma_wait3A_161 : memref<1x16xf32, #tpu.memory_space<hbm>> -> memref<16xf32, #tpu.memory_space<hbm>>
      tpu.wait_dma2 semaphore(%run_scoped3A : memref<!tpu.dma_semaphore, #tpu.memory_space<semaphore_mem>>) src(%arg17 : memref<16xf32, #tpu.memory_space<vmem>>) dst(%dma_wait3A_162 : memref<16xf32, #tpu.memory_space<hbm>>)
      tpu.yield
    }) : () -> ()
    return
  }
}

module attributes {stable_mosaic.version = 14 : i64} {
  func.func @_lse_body(%arg0: memref<1000x1000xf32, #tpu.memory_space<vmem>>, %arg1: memref<1000xf32, #tpu.memory_space<vmem>>) attributes {dimension_semantics = [], scalar_prefetch = 0 : i64, scratch_operands = 0 : i64, tpu.core_type = #tpu.core_type<tc>} {
    %get3A = arith.constant 0 : index
    %get3A_0 = arith.constant 0 : index
    %get3A_1 = vector.load %arg0[%get3A, %get3A_0] : memref<1000x1000xf32, #tpu.memory_space<vmem>>, vector<1000x1000xf32>
    %reduce_max3A = arith.constant dense<0xFF800000> : vector<1000xf32>
    %reduce_max3A_2 = vector.multi_reduction <maximumf>, %get3A_1, %reduce_max3A [1] : vector<1000x1000xf32> to vector<1000xf32>
    %broadcast_in_dim3A = vector.shape_cast %reduce_max3A_2 : vector<1000xf32> to vector<1000x1xf32>
    %sub3A = vector.broadcast %broadcast_in_dim3A : vector<1000x1xf32> to vector<1000x1000xf32>
    %sub3A_3 = arith.subf %get3A_1, %sub3A : vector<1000x1000xf32>
    %exp3A = math.exp %sub3A_3 : vector<1000x1000xf32>
    %reduce_sum3A = arith.constant dense<0.000000e+00> : vector<1000xf32>
    %reduce_sum3A_4 = vector.multi_reduction <add>, %exp3A, %reduce_sum3A [1] : vector<1000x1000xf32> to vector<1000xf32>
    %log3A = math.log %reduce_sum3A_4 : vector<1000xf32>
    %add3A = arith.addf %reduce_max3A_2, %log3A : vector<1000xf32>
    %swap3A = arith.constant 0 : index
    %swap3A_5 = vector.load %arg1[%swap3A] : memref<1000xf32, #tpu.memory_space<vmem>>, vector<1000xf32>
    tpu.vector_store %arg1[%swap3A], %add3A {strides = array<i32>} : memref<1000xf32, #tpu.memory_space<vmem>>, vector<1000xf32>,
    return
  }
}

</mosaic_0001>

<sc_bundles>
// kernel: kernel.4.cloned.1.call-start
scs
__scs_entry_jumppad:
0x0: {  	(pc) =	sbr.rel $0x88, $3  }
0x1: {  	(tag) =	ssettag $0x0;
	lr =	simm.s32 $0x1  }
0x2: {  	[smem:$0x3F9E] =	sst lr;
	_ =	strace $0xD0000000  }
0x3: {  	_ = 	snop  }
0x4: {  	_ = 	snop  }
0x5: {  	_ = 	snop  }
0x6: {  	_ = 	snop  }
0x7: {  	_ = 	snop  }
__scs_overlays_trampoline_lowered:
0x8: {  	[smem:$0x3FAD] =	sst s0  }
0x9: {  	[smem:$0x3FAE] =	sst s1  }
0xa: {  	[smem:$0x3FAF] =	sst s2  }
0xb: {  	[smem:$0x3FB0] =	sst s3  }
0xc: {  	[smem:$0x3FB1] =	sst s4  }
0xd: {  	[smem:$0x3FB2] =	sst s5  }
0xe: {  	[smem:$0x3FB3] =	sst s6  }
0xf: {  	[smem:$0x3FB4] =	sst s7  }
0x10: {  	[smem:$0x3FB5] =	sst s8  }
0x11: {  	[smem:$0x3FB6] =	sst s9;
	s0 =	simm.s32 @!p0 $0x0  }
0x12: {  	s1 =	sld [smem:$0x3F9C];
	s0 =	simm.s32 @p0 $0x1  }
0x13: {  	[smem:$0x3FB7] =	sst s0;
	s0 =	simm.s32 @!p1 $0x0  }
0x14: {  	s2 =	sld [smem:$0x3F9B];
	s0 =	simm.s32 @p1 $0x1  }
0x15: {  	[smem:$0x3FB8] =	sst s0;
	s0 =	simm.s32 @!p2 $0x0  }
0x16: {  	s3 =	sld [smem:$0x3FDB];
	s0 =	simm.s32 @p2 $0x1  }
0x17: {  	s4 =	simm.s32 $0x1BF5;
	[smem:$0x3FBA] =	sst s0  }
0x18: {  	s0 =	sld [smem:$0x3F9D];
	_ =	swait.ge [sflag:s4], $0x0  }
0x19: {  	s7 =	sld [smem:$0x3F9E]  }
0x1a: {  	s8 =	sadd.s32 $0xFFFFE003, lr  }
0x1b: {  	s9 =	sadd.s32 $0xFFFFFEF7, lr;
	s5 =	simm.s32 $0xFFFFFFFF;
	p2 =	slt.u32 s8, $0xFFFFF086  }
0x1c: {  	p1 =	slt.u32 s9, $0xF7A;
	s5 =	simm.s32 @!p2 $0x0  }
0x1d: {  	s5 =	simm.s32 @p1 $0x1;
	p0 =	seq.s32 s7, s2  }
0x1e: {  	s7 =	smul.u32 @!p0 $0xF7A, s2;
	p2 =	seq.s32 @!p0 s5, $0x0  }
0x1f: {  	s9 =	smul.u32 $0xF7A, s1;
	s8 =	simm.s32 @!p0 $0x1BF5;
	p2 =	por !p2, p0  }
0x20: {  	[sflag:s8] =	ssyncset.s32 @!p0 $0xFFFFF086;
	s6 =	sadd.s32 @!p0 s3, s7;
	s7 =	simm.s32 @!p0 $0x108  }
0x21: {  	s3 =	sadd.s32 s3, s9;
	s6 =	sadd.s32 @!p0 $0x88, s6;
	s7 =	simm.s32 @p2 $0x1082  }
0x22: {  	[simem:s7], [sflag:s8] =	dma.local @!p0 [hbm:s6], $0xF7A  }
0x23: {  	s9 =	sor.u32 $0xD0000000, s2;
	s6 =	simm.s32 $0x108;
	_ =	swait.ge @!p0 [sflag:s8], $0x0  }
0x24: {  	s3 =	sadd.s32 $0x88, s3;
	s6 =	simm.s32 @!p1 $0x1082;
	[sflag:s4] =	ssyncset.s32 $0xFFFFF086  }
0x25: {  	[simem:s6], [sflag:s4] =	dma.local [hbm:s3], $0xF7A  }
0x26: {  	[smem:$0x3F9E] =	sst s1;
	(tag) =	ssettag s2;
	_ =	strace s9  }
0x27: {  	s1 =	sld [smem:$0x3FAE]  }
0x28: {  	s2 =	sld [smem:$0x3FAF]  }
0x29: {  	s4 =	sld [smem:$0x3FB1]  }
0x2a: {  	p0 =	seq.s32 s5, $0x0;
	s5 =	sld [smem:$0x3FB2]  }
0x2b: {  	s6 =	sld [smem:$0x3FB3]  }
0x2c: {  	s7 =	sld [smem:$0x3FB4]  }
0x2d: {  	s3 =	simm.s32 $0x108;
	s8 =	sld [smem:$0x3FB5]  }
0x2e: {  	s3 =	simm.s32 @!p0 $0x1082;
	s9 =	sld [smem:$0x3FB6]  }
0x2f: {  	lr =	sadd.s32 s0, s3;
	s0 =	sld [smem:$0x3FAD]  }
0x30: {  	s3 =	sld [smem:$0x3FB0]  }
0x31: {  	[smem:$0x3FB9] =	sst s10  }
0x32: {  	s10 =	sld [smem:$0x3FB7];
	_ =	sdelay $0x3  }
0x33: {  	p0 =	seq.s32 s10, $0x1;
	s10 =	sld [smem:$0x3FB9];
	_ =	sdelay $0x3  }
0x34: {  	[smem:$0x3FB9] =	sst s10  }
0x35: {  	s10 =	sld [smem:$0x3FB8];
	_ =	sdelay $0x3  }
0x36: {  	p1 =	seq.s32 s10, $0x1;
	s10 =	sld [smem:$0x3FB9];
	_ =	sdelay $0x3  }
0x37: {  	[smem:$0x3FB9] =	sst s10  }
0x38: {  	s10 =	sld [smem:$0x3FBA]  }
0x39: {  	_ = 	snop;
	(pc) =	sbr.ind lr, $3  }
0x3a: {  	_ = 	snop  }
0x3b: {  	_ = 	snop  }
0x3c: {  	p2 =	seq.s32 s10, $0x1;
	s10 =	sld [smem:$0x3FB9]  }
0x3d: {  	_ =	shalt  }
0x3e: {  	_ =	shalt  }
0x3f: {  	_ =	shalt  }
0x40: {  	_ =	shalt  }
0x41: {  	_ =	shalt  }
0x42: {  	_ =	shalt  }
0x43: {  	_ =	shalt  }
0x44: {  	_ =	shalt  }
0x45: {  	_ =	shalt  }
0x46: {  	_ =	shalt  }
0x47: {  	_ =	shalt  }
0x48: {  	_ =	shalt  }
0x49: {  	_ =	shalt  }
0x4a: {  	_ =	shalt  }
0x4b: {  	_ =	shalt  }
0x4c: {  	_ =	shalt  }
0x4d: {  	_ =	shalt  }
0x4e: {  	_ =	shalt  }
0x4f: {  	_ =	shalt  }
0x50: {  	_ =	shalt  }
0x51: {  	_ =	shalt  }
0x52: {  	_ =	shalt  }
0x53: {  	_ =	shalt  }
0x54: {  	_ =	shalt  }
0x55: {  	_ =	shalt  }
0x56: {  	_ =	shalt  }
0x57: {  	_ =	shalt  }
0x58: {  	_ =	shalt  }
0x59: {  	_ =	shalt  }
0x5a: {  	_ =	shalt  }
0x5b: {  	_ =	shalt  }
0x5c: {  	_ =	shalt  }
0x5d: {  	_ =	shalt  }
0x5e: {  	_ =	shalt  }
0x5f: {  	_ =	shalt  }
0x60: {  	_ =	shalt  }
0x61: {  	_ =	shalt  }
0x62: {  	_ =	shalt  }
0x63: {  	_ =	shalt  }
0x64: {  	_ =	shalt  }
0x65: {  	_ =	shalt  }
0x66: {  	_ =	shalt  }
0x67: {  	_ =	shalt  }
0x68: {  	_ =	shalt  }
0x69: {  	_ =	shalt  }
0x6a: {  	_ =	shalt  }
0x6b: {  	_ =	shalt  }
0x6c: {  	_ =	shalt  }
0x6d: {  	_ =	shalt  }
0x6e: {  	_ =	shalt  }
0x6f: {  	_ =	shalt  }
0x70: {  	_ =	shalt  }
0x71: {  	_ =	shalt  }
0x72: {  	_ =	shalt  }
0x73: {  	_ =	shalt  }
0x74: {  	_ =	shalt  }
0x75: {  	_ =	shalt  }
0x76: {  	_ =	shalt  }
0x77: {  	_ =	shalt  }
0x78: {  	_ =	shalt  }
0x79: {  	_ =	shalt  }
0x7a: {  	_ =	shalt  }
0x7b: {  	_ =	shalt  }
0x7c: {  	_ =	shalt  }
0x7d: {  	_ =	shalt  }
0x7e: {  	_ =	shalt  }
0x7f: {  	_ =	shalt  }
0x80: {  	_ =	shalt  }
0x81: {  	_ =	shalt  }
0x82: {  	_ =	shalt  }
0x83: {  	_ =	shalt  }
0x84: {  	_ =	shalt  }
0x85: {  	_ =	shalt  }
0x86: {  	_ =	shalt  }
0x87: {  	_ =	shalt  }
.Lfunc_end0:
.L_simem_size_0:
called_computation.1_lowered:
.L_overlay_start_0:
0x88: {  	s2 =	sld [smem:$0x3FD9]  }
0x89: {  	s3 =	sld [smem:$0x3FFE];
	_ =	sdelay $0x1  }
0x8a: {  	s1 =	srdreg.scid  }
0x8b: {  	s0 =	sand.u32 $0x1, s1  }
0x8c: {  	s14 =	sshll.u32 s0, $0xA;
	s2 =	sadd.s32 s3, s2  }
0x8d: {  	s2 =	sadd.s32 s2, s14  }
0x8e: {  	[smem:$0x3FC5] =	sst s2  }
0x8f: {  	_ = 	snop  }
0x90: {  	s2 =	sld [smem:$0x3FD0];
	_ =	sdelay $0x2  }
0x91: {  	s15 =	simm.s32 $0xA;
	s4 =	simm.s32 $0x10  }
0x92: {  	[smem:s4], [sflag:s15] =	dma.local [hbm:s2], $0x1  }
0x93: {  	_ =	swait.eq [sflag:s15], $0x1  }
0x94: {  	[sflag:s15] =	ssyncset.done $0x0  }
0x95: {  	[sflag:s15] =	ssyncadd.s32 $0xFFFFFFFF  }
0x96: {  	s16 =	sld [smem:$0x10];
	(tm) =	ssettm $0x1  }
0x97: {  	s17 =	sld [smem:$0x3FFB];
	_ =	sdelay $0x3  }
0x98: {  	_ =	strace s17  }
0x99: {  	s3 =	sld [smem:$0x3FFC];
	_ =	sdelay $0x3  }
0x9a: {  	_ =	strace s3  }
0x9b: {  	s3 =	sld [smem:$0x3FFD];
	_ =	sdelay $0x3  }
0x9c: {  	_ =	strace s3  }
0x9d: {  	_ =	strace $0x8FFFFFFF  }
0x9e: {  	s18 =	sld [smem:$0x3FDB];
	_ =	sdelay $0x1  }
0x9f: {  	s19 =	simm.s32 $_scs_section_size  }
0xa0: {  	s5 =	simm.s32 $_size__tile_overlayer_lowered;
	s6 =	simm.s32 $_tile_overlayer_lowered  }
0xa1: {  	s22 =	simm.s32 $0x1BFF;
	s21 =	sshll.u32 s6, $0x1;
	s3 =	sadd.s32 s19, s18  }
0xa2: {  	s7 =	simm.s32 $0x0;
	s20 =	sshll.u32 s5, $0x1;
	s5 =	sadd.s32 s21, s3  }
0xa3: {  	[timem:s7], [sflag:s22] =	dma.local [hbm:s5], s20  }
0xa4: {  	_ =	swait.ge [sflag:s22], s20  }
0xa5: {  	s4 =	ssub.s32 $0x0, s20;
	[sflag:s22] =	ssyncset.done $0x0  }
0xa6: {  	[sflag:s22] =	ssyncadd.s32 s4;
	_ =	sdelay $0x1  }
0xa7: {  	s23 =	simm.s32 $0x1B8B  }
0xa8: {  	_ =	swait.ge [sflag:s23], $0x1  }
0xa9: {  	[sflag:s23] =	ssyncset.done $0x0  }
0xaa: {  	s25 =	simm.s32 $0x1B8E;
	s24 =	sld [smem:$0x3FFE];
	[sflag:s23] =	ssyncadd.s32 $0xFFFFFFFF  }
0xab: {  	s26 =	simm.s32 $execute0_lowered;
	[smem:$0x3FD2] =	sst s25  }
0xac: {  	s5 =	sshll.u32 s26, $0x1;
	_ =	strace $0x80000046;
	[dreg:$0x1] =	wrdreg $0xFFFFFFFF  }
0xad: {  	s28 =	simm.s32 $_size_execute0_lowered;
	s3 =	sadd.s32 s3, s5;
	[dreg:$0x0] =	wrdreg $0x0  }
0xae: {  	s5 =	sshll.u32 s28, $0x1;
	[dreg:$0x2] =	wrdreg s3  }
0xaf: {  	[dreg:$0x3] =	wrdreg s5  }
0xb0: {  	[dreg:$0x4] =	wrdreg $0xC0  }
0xb1: {  	_ =	task [dreg:s7], $0x5FFFF  }
0xb2: {  	[dreg:$0x1] =	wrdreg $0xFFFFFFFF  }
0xb3: {  	[dreg:$0x0] =	wrdreg $0x60  }
0xb4: {  	[dreg:$0x2] =	wrdreg s24  }
0xb5: {  	[dreg:$0x3] =	wrdreg s16  }
0xb6: {  	[dreg:$0x4] =	wrdreg $0x9  }
0xb7: {  	_ =	task.clear_ibuf [dreg:s7], $0x5FFFF;
	_ =	strace $0x90000046  }
0xb8: {  	s29 =	simm.s32 $0x9;
	_ =	strace $0x80000048  }
0xb9: {  	_ =	swait.ge [sflag:s29], $0x1  }
0xba: {  	[sflag:s29] =	ssyncadd.s32 $0xFFFFFFFF  }
0xbb: {  	_ =	strace $0x90000048  }
0xbc: {  	_ =	sfence  }
0xbd: {  	s30 =	sld [smem:$0x0];
	_ =	sdelay $0x2  }
0xbe: {  	s31 =	sshll.u32 s1, $0xD;
	s1 =	sshrl.u32 s1, $0x2  }
0xbf: {  	s3 =	sand.u32 $0x4000, s31;
	s1 =	sadd.s32 s1, s30  }
0xc0: {  	s0 =	sor.u32 s3, s0;
	s1 =	sshll.u32 s1, $0x11  }
0xc1: {  	s0 =	sor.u32 s1, s0  }
0xc2: {  	s0 =	sadd.s32 $0x8F2B, s0  }
0xc3: {  	[sflag:s0] =	ssyncadd.remote.s32 $0x1  }
0xc4: {  	_ =	sfence.sel $0xFFFF  }
0xc5: {  	[dreg:$0x0] =	wrdreg $0xFFFFFFFF;
	(pc) =	sbr.abs _section_cstart, $3  }
0xc6: {  	[dreg:$0x1] =	wrdreg $0xFFFFFFFF  }
0xc7: {  	_ =	task.clear_ibuf [dreg:s7], $0x2FFFF;
	_ =	strace $0x9FFFFFFF  }
0xc8: {  	(tm) =	ssettm $0x7FFFFFFF  }
0xc9: {  	_ =	shalt  }
tec
execute0_lowered:
.L_overlay_start_1:
0x0: {  	(tag) =	ssettag $0x1  }
0x1: {  	s0 =	rddreg [dreg:$0x0]  }
0x2: {  	s1 =	srdreg.scid;
	s10 =	stileid.u32  }
0x3: {  	s2 =	rddreg [dreg:$0x1];
	s3 =	simm.s32 $0x0;
	s28 =	simm.s32 $0x1000  }
0x4: {  	s29 =	simm.s32 $0x19000;
	s17 =	simm.s32 $0x1;
	s13 =	simm.s32 $0x3  }
0x5: {  	s14 =	simm.s32 $0x2;
	s15 =	simm.s32 $0x6;
	s16 =	simm.s32 $0x8  }
0x6: {  	s19 =	simm.s32 $0x4;
	s31 =	simm.s32 $0x1A000;
	s18 =	simm.s32 $0x1D080  }
0x7: {  	s30 =	simm.s32 $0x1D180;
	s1 =	sand.u32 $0x1, s1;
	s4 =	sshll.u32 s10, $0x1  }
0x8: {  	[smem:$0x7FF] =	sst s3;
	s5 =	sadd.s32 $0x1400, s0;
	s11 =	sadd.s32 $0x24000, s0  }
0x9: {  	s23 =	smul.u32 $0x70000, s10;
	s10 =	sadd.s32 $0x300, s2;
	s6 =	sor.u32 s1, s4  }
0xa: {  	_ =	strace $0x80000047;
	s9 =	ssub.s32 $0x2, s1;
	s1 =	smul.u32 $0x38000, s1  }
0xb: {  	s4 =	sshll.u32 s6, $0x8;
	s8 =	sshll.u32 s6, $0x4;
	s21 =	sshrl.u32 s9, $0x1  }
0xc: {  	s6 =	smul.u32 $0x1C0000, s6;
	s7 =	sadd.s32 s4, s0;
	s4 =	sadd.s32 $0x1200, s0  }
0xd: {  	s0 =	sadd.s32 s8, s0;
	s12 =	ssub.s32 s9, s21;
	s8 =	sadd.s32 $0x100, s2  }
0xe: {  	s9 =	sadd.s32 $0x200, s2;
	s21 =	simm.s32 $0x9;
	s22 =	sadd.s32 $0x1FE00, s7  }
0xf: {  	s7 =	sadd.s32 $0x21E00, s7;
	s6 =	sshrl.u32 s6, $0x3;
	[dreg:$0x3] =	wrdreg s22  }
0x10: {  	s0 =	sadd.s32 $0x23E00, s0;
	s25 =	smax.u32 s12, $0x1;
	[dreg:$0x4] =	wrdreg s7  }
0x11: {  	s12 =	simm.s32 $0x7;
	s6 =	sadd.s32 s11, s6;
	[dreg:$0x7] =	wrdreg s0  }
0x12: {  	s7 =	sadd.s32 s23, s11;
	[dreg:$0x8] =	wrdreg s25;
	s23 =	simm.s32 $0x38  }
0x13: {  	s25 =	simm.s32 $0xF000;
	s11 =	simm.s32 $0x5;
	s24 =	sadd.s32 $0x34800, s6  }
0x14: {  	s0 =	simm.s32 $0x0;
	s6 =	sadd.s32 $0x36400, s6;
	[dreg:$0x5] =	wrdreg s24  }
0x15: {  	v2 =	vlaneseq.u32;
	s1 =	sadd.s32 s1, s7;
	s7 =	simm.s32 $0x1C000;
	[dreg:$0x6] =	wrdreg s6  }
0x16: {  	vm0 =	vmmov $0xffff;
	vm1 =	vcmask $0x1F28;
	v1 =	vshrl.u32 v2, $0x3;
	s26 =	sadd.s32 $0x1C00, s1;
	s24 =	simm.s32 $0x1800;
	s1 =	simm.s32 $0x1A800  }
0x17: {  	v0 =	vand.u32 $0x7, v2;
	v2 =	vor.u32 $0x8, v2;
	v1 =	vmul.u32 $0x8, v1;
	s6 =	simm.s32 $0x1B800;
	[dreg:$0x9] =	wrdreg s26;
	s26 =	simm.s32 $0x1C800  }
.LBB2_1:
0x18: {  	[dreg:$0xa] =	wrdreg s0  }
0x19: {  	s20 =	rddreg [dreg:$0x3]  }
0x1a: {  	[tilespmem:s3], [sflag:$0x9] =	stream.linear.gather [hbm4b:s20+s3], $0x800, $0x38;
	[tilespmem:$0x1D280] =	vst v63  }
0x1b: {  	_ =	swait.ge [sflag:s21], $0x800  }
0x1c: {  	[sflag:s21] =	ssyncset.done $0x0  }
0x1d: {  	s22 =	simm.s32 $0x800;
	s0 =	rddreg [dreg:$0x4];
	[sflag:s21] =	ssyncadd.s32 $0xFFFFF800  }
0x1e: {  	[tilespmem:s22], [sflag:$0x9] =	stream.linear.gather [hbm4b:s0+s3], $0x800, $0x38;
	[tilespmem:$0x1D280] =	vst v63  }
0x1f: {  	_ =	swait.ge [sflag:s21], $0x800  }
0x20: {  	[sflag:s21] =	ssyncset.done $0x0  }
0x21: {  	[sflag:s21] =	ssyncadd.s32 $0xFFFFF800  }
0x22: {  	v3 =	vld [tilespmem:$0x0];
	_ =	sdelay $0x4  }
0x23: {  	v4 =	vshll.u32 v3, $0x3  }
0x24: {  	v3 =	vand.u32 $0x7, v3;
	v4 =	vand.u32 $0xFFFFFFC0, v4  }
0x25: {  	v3 =	vor.u32 v3, v4  }
0x26: {  	v4 =	vperm.xlane v3, v0;
	_ =	sdelay $0x1  }
0x27: {  	v4 =	vadd.s32 v1, v4;
	_ =	sdelay $0x4  }
0x28: {  	[tilespmem:s28], [sflag:$0x1] =	stream.indirect_vreg.gather [hbm4b:s2+s3], $0x80, v4, vm0, $0xb8;
	[tilespmem:$0x1D280] =	vst v63  }
0x29: {  	v3 =	vperm.xlane v3, v2  }
0x2a: {  	[tilespmem:s24], [sflag:$0x1] =	stream.indirect_vreg.gather [hbm4b:s8+s3], $0x80, v4, vm0, $0xb8;
	[tilespmem:$0x1D280] =	vst v63  }
0x2b: {  	v3 =	vadd.s32 v1, v3;
	s28 =	simm.s32 $0x2000  }
0x2c: {  	[tilespmem:s28], [sflag:$0x1] =	stream.indirect_vreg.gather [hbm4b:s9+s3], $0x80, v4, vm0, $0xb8;
	[tilespmem:$0x1D280] =	vst v63  }
0x2d: {  	s20 =	simm.s32 $0x2800  }
0x2e: {  	[tilespmem:s20], [sflag:$0x1] =	stream.indirect_vreg.gather [hbm4b:s10+s3], $0x80, v4, vm0, $0xb8;
	[tilespmem:$0x1D280] =	vst v63  }
0x2f: {  	s21 =	simm.s32 $0x3000  }
0x30: {  	[tilespmem:s21], [sflag:$0x1] =	stream.indirect_vreg.gather [hbm4b:s2+s3], $0x80, v3, vm0, $0xb8;
	[tilespmem:$0x1D280] =	vst v63  }
0x31: {  	s28 =	simm.s32 $0x3800  }
0x32: {  	[tilespmem:s28], [sflag:$0x1] =	stream.indirect_vreg.gather [hbm4b:s8+s3], $0x80, v3, vm0, $0xb8;
	[tilespmem:$0x1D280] =	vst v63  }
0x33: {  	s20 =	simm.s32 $0x4000  }
0x34: {  	[tilespmem:s20], [sflag:$0x1] =	stream.indirect_vreg.gather [hbm4b:s9+s3], $0x80, v3, vm0, $0xb8;
	[tilespmem:$0x1D280] =	vst v63  }
0x35: {  	s21 =	simm.s32 $0x4800  }
0x36: {  	[tilespmem:s21], [sflag:$0x1] =	stream.indirect_vreg.gather [hbm4b:s10+s3], $0x80, v3, vm0, $0xb8;
	[tilespmem:$0x1D280] =	vst v63  }
0x37: {  	v3 =	vld [tilespmem:$0x10];
	_ =	sdelay $0x4  }
0x38: {  	v4 =	vshll.u32 v3, $0x3  }
0x39: {  	v3 =	vand.u32 $0x7, v3;
	v4 =	vand.u32 $0xFFFFFFC0, v4  }
0x3a: {  	v3 =	vor.u32 v3, v4  }
0x3b: {  	v4 =	vperm.xlane v3, v0;
	_ =	sdelay $0x1  }
0x3c: {  	v4 =	vadd.s32 v1, v4;
	_ =	sdelay $0x3  }
0x3d: {  	s28 =	simm.s32 $0x5000  }
0x3e: {  	[tilespmem:s28], [sflag:$0x1] =	stream.indirect_vreg.gather [hbm4b:s2+s3], $0x80, v4, vm0, $0xb8;
	[tilespmem:$0x1D280] =	vst v63  }
0x3f: {  	s20 =	simm.s32 $0x5800;
	v3 =	vperm.xlane v3, v2  }
0x40: {  	[tilespmem:s20], [sflag:$0x1] =	stream.indirect_vreg.gather [hbm4b:s8+s3], $0x80, v4, vm0, $0xb8;
	[tilespmem:$0x1D280] =	vst v63  }
0x41: {  	s21 =	simm.s32 $0x6000;
	v3 =	vadd.s32 v1, v3  }
0x42: {  	[tilespmem:s21], [sflag:$0x1] =	stream.indirect_vreg.gather [hbm4b:s9+s3], $0x80, v4, vm0, $0xb8;
	[tilespmem:$0x1D280] =	vst v63  }
0x43: {  	s28 =	simm.s32 $0x6800  }
0x44: {  	[tilespmem:s28], [sflag:$0x1] =	stream.indirect_vreg.gather [hbm4b:s10+s3], $0x80, v4, vm0, $0xb8;
	[tilespmem:$0x1D280] =	vst v63  }
0x45: {  	s20 =	simm.s32 $0x7000  }
0x46: {  	[tilespmem:s20], [sflag:$0x1] =	stream.indirect_vreg.gather [hbm4b:s2+s3], $0x80, v3, vm0, $0xb8;
	[tilespmem:$0x1D280] =	vst v63  }
0x47: {  	s21 =	simm.s32 $0x7800  }
0x48: {  	[tilespmem:s21], [sflag:$0x1] =	stream.indirect_vreg.gather [hbm4b:s8+s3], $0x80, v3, vm0, $0xb8;
	[tilespmem:$0x1D280] =	vst v63  }
0x49: {  	s28 =	simm.s32 $0x8000  }
0x4a: {  	[tilespmem:s28], [sflag:$0x1] =	stream.indirect_vreg.gather [hbm4b:s9+s3], $0x80, v3, vm0, $0xb8;
	[tilespmem:$0x1D280] =	vst v63  }
0x4b: {  	s20 =	simm.s32 $0x8800  }
0x4c: {  	[tilespmem:s20], [sflag:$0x1] =	stream.indirect_vreg.gather [hbm4b:s10+s3], $0x80, v3, vm0, $0xb8;
	[tilespmem:$0x1D280] =	vst v63  }
0x4d: {  	v3 =	vld [tilespmem:$0x20];
	_ =	sdelay $0x4  }
0x4e: {  	v4 =	vshll.u32 v3, $0x3  }
0x4f: {  	v3 =	vand.u32 $0x7, v3;
	v4 =	vand.u32 $0xFFFFFFC0, v4  }
0x50: {  	v3 =	vor.u32 v3, v4  }
0x51: {  	v4 =	vperm.xlane v3, v0;
	_ =	sdelay $0x1  }
0x52: {  	v4 =	vadd.s32 v1, v4;
	_ =	sdelay $0x3  }
0x53: {  	s21 =	simm.s32 $0x9000  }
0x54: {  	[tilespmem:s21], [sflag:$0x1] =	stream.indirect_vreg.gather [hbm4b:s2+s3], $0x80, v4, vm0, $0xb8;
	[tilespmem:$0x1D280] =	vst v63  }
0x55: {  	s28 =	simm.s32 $0x9800;
	v3 =	vperm.xlane v3, v2  }
0x56: {  	[tilespmem:s28], [sflag:$0x1] =	stream.indirect_vreg.gather [hbm4b:s8+s3], $0x80, v4, vm0, $0xb8;
	[tilespmem:$0x1D280] =	vst v63  }
0x57: {  	s20 =	simm.s32 $0xA000;
	v3 =	vadd.s32 v1, v3  }
0x58: {  	[tilespmem:s20], [sflag:$0x1] =	stream.indirect_vreg.gather [hbm4b:s9+s3], $0x80, v4, vm0, $0xb8;
	[tilespmem:$0x1D280] =	vst v63  }
0x59: {  	s21 =	simm.s32 $0xA800  }
0x5a: {  	[tilespmem:s21], [sflag:$0x1] =	stream.indirect_vreg.gather [hbm4b:s10+s3], $0x80, v4, vm0, $0xb8;
	[tilespmem:$0x1D280] =	vst v63  }
0x5b: {  	s28 =	simm.s32 $0xB000  }
0x5c: {  	[tilespmem:s28], [sflag:$0x1] =	stream.indirect_vreg.gather [hbm4b:s2+s3], $0x80, v3, vm0, $0xb8;
	[tilespmem:$0x1D280] =	vst v63  }
0x5d: {  	s20 =	simm.s32 $0xB800  }
0x5e: {  	[tilespmem:s20], [sflag:$0x1] =	stream.indirect_vreg.gather [hbm4b:s8+s3], $0x80, v3, vm0, $0xb8;
	[tilespmem:$0x1D280] =	vst v63  }
0x5f: {  	s21 =	simm.s32 $0xC000  }
0x60: {  	[tilespmem:s21], [sflag:$0x1] =	stream.indirect_vreg.gather [hbm4b:s9+s3], $0x80, v3, vm0, $0xb8;
	[tilespmem:$0x1D280] =	vst v63  }
0x61: {  	s28 =	simm.s32 $0xC800  }
0x62: {  	[tilespmem:s28], [sflag:$0x1] =	stream.indirect_vreg.gather [hbm4b:s10+s3], $0x80, v3, vm0, $0xb8;
	[tilespmem:$0x1D280] =	vst v63  }
0x63: {  	v3 =	vld.msk [tilespmem:$0x30], $0xff;
	_ =	sdelay $0x4  }
0x64: {  	v4 =	vshll.u32 v3, $0x3  }
0x65: {  	v3 =	vand.u32 $0x7, v3;
	v4 =	vand.u32 $0xFFFFFFC0, v4  }
0x66: {  	v3 =	vor.u32 v3, v4  }
0x67: {  	v3 =	vperm.xlane v3, v0;
	_ =	sdelay $0x1  }
0x68: {  	v3 =	vadd.s32 v1, v3;
	_ =	sdelay $0x3  }
0x69: {  	s20 =	simm.s32 $0xD000  }
0x6a: {  	[tilespmem:s20], [sflag:$0x1] =	stream.indirect_vreg.gather [hbm4b:s2+s3], $0x80, v3, vm0, $0xb8;
	[tilespmem:$0x1D280] =	vst v63  }
0x6b: {  	s21 =	simm.s32 $0xD800  }
0x6c: {  	[tilespmem:s21], [sflag:$0x1] =	stream.indirect_vreg.gather [hbm4b:s8+s3], $0x80, v3, vm0, $0xb8;
	[tilespmem:$0x1D280] =	vst v63  }
0x6d: {  	s28 =	simm.s32 $0xE000  }
0x6e: {  	[tilespmem:s28], [sflag:$0x1] =	stream.indirect_vreg.gather [hbm4b:s9+s3], $0x80, v3, vm0, $0xb8;
	[tilespmem:$0x1D280] =	vst v63  }
0x6f: {  	s20 =	simm.s32 $0xE800  }
0x70: {  	[tilespmem:s20], [sflag:$0x1] =	stream.indirect_vreg.gather [hbm4b:s10+s3], $0x80, v3, vm0, $0xb8;
	[tilespmem:$0x1D280] =	vst v63  }
0x71: {  	s21 =	simm.s32 $0x1D000  }
0x72: {  	[tilespmem:s21], [sflag:$0x5] =	stream.indirect.gather [hbm4b:s5+s23], $0x1, s22, s23, $0xb8;
	[tilespmem:$0x1D280] =	vst v63  }
0x73: {  	s22 =	simm.s32 $0x1D100  }
0x74: {  	[tilespmem:s22], [sflag:$0x7] =	stream.indirect.gather [hbm4b:s4+s23], $0x1, s3, s23, $0xb8;
	[tilespmem:$0x1D280] =	vst v63  }
0x75: {  	v3 =	vld [tilespmem:$0x40];
	_ =	sdelay $0x4  }
0x76: {  	v4 =	vshll.u32 v3, $0x3  }
0x77: {  	v3 =	vand.u32 $0x7, v3;
	v4 =	vand.u32 $0xFFFFFFC0, v4  }
0x78: {  	v3 =	vor.u32 v3, v4  }
0x79: {  	v4 =	vperm.xlane v3, v0;
	_ =	sdelay $0x1  }
0x7a: {  	v4 =	vadd.s32 v1, v4;
	_ =	sdelay $0x4  }
0x7b: {  	[tilespmem:s25], [sflag:$0x2] =	stream.indirect_vreg.gather [hbm4b:s2+s3], $0x80, v4, vm0, $0xb8;
	[tilespmem:$0x1D280] =	vst v63  }
0x7c: {  	s28 =	simm.s32 $0xF800;
	v3 =	vperm.xlane v3, v2  }
0x7d: {  	[tilespmem:s28], [sflag:$0x2] =	stream.indirect_vreg.gather [hbm4b:s8+s3], $0x80, v4, vm0, $0xb8;
	[tilespmem:$0x1D280] =	vst v63  }
0x7e: {  	s20 =	simm.s32 $0x10000;
	v3 =	vadd.s32 v1, v3  }
0x7f: {  	[tilespmem:s20], [sflag:$0x2] =	stream.indirect_vreg.gather [hbm4b:s9+s3], $0x80, v4, vm0, $0xb8;
	[tilespmem:$0x1D280] =	vst v63  }
0x80: {  	s21 =	simm.s32 $0x10800  }
0x81: {  	[tilespmem:s21], [sflag:$0x2] =	stream.indirect_vreg.gather [hbm4b:s10+s3], $0x80, v4, vm0, $0xb8;
	[tilespmem:$0x1D280] =	vst v63  }
0x82: {  	s22 =	simm.s32 $0x11000  }
0x83: {  	[tilespmem:s22], [sflag:$0x2] =	stream.indirect_vreg.gather [hbm4b:s2+s3], $0x80, v3, vm0, $0xb8;
	[tilespmem:$0x1D280] =	vst v63  }
0x84: {  	s25 =	simm.s32 $0x11800  }
0x85: {  	[tilespmem:s25], [sflag:$0x2] =	stream.indirect_vreg.gather [hbm4b:s8+s3], $0x80, v3, vm0, $0xb8;
	[tilespmem:$0x1D280] =	vst v63  }
0x86: {  	s28 =	simm.s32 $0x12000  }
0x87: {  	[tilespmem:s28], [sflag:$0x2] =	stream.indirect_vreg.gather [hbm4b:s9+s3], $0x80, v3, vm0, $0xb8;
	[tilespmem:$0x1D280] =	vst v63  }
0x88: {  	s20 =	simm.s32 $0x12800  }
0x89: {  	[tilespmem:s20], [sflag:$0x2] =	stream.indirect_vreg.gather [hbm4b:s10+s3], $0x80, v3, vm0, $0xb8;
	[tilespmem:$0x1D280] =	vst v63  }
0x8a: {  	v3 =	vld [tilespmem:$0x50];
	_ =	sdelay $0x4  }
0x8b: {  	v4 =	vshll.u32 v3, $0x3  }
0x8c: {  	v3 =	vand.u32 $0x7, v3;
	v4 =	vand.u32 $0xFFFFFFC0, v4  }
0x8d: {  	v3 =	vor.u32 v3, v4  }
0x8e: {  	v4 =	vperm.xlane v3, v0;
	_ =	sdelay $0x1  }
0x8f: {  	v4 =	vadd.s32 v1, v4;
	_ =	sdelay $0x3  }
0x90: {  	s21 =	simm.s32 $0x13000  }
0x91: {  	[tilespmem:s21], [sflag:$0x2] =	stream.indirect_vreg.gather [hbm4b:s2+s3], $0x80, v4, vm0, $0xb8;
	[tilespmem:$0x1D280] =	vst v63  }
0x92: {  	s22 =	simm.s32 $0x13800;
	v3 =	vperm.xlane v3, v2  }
0x93: {  	[tilespmem:s22], [sflag:$0x2] =	stream.indirect_vreg.gather [hbm4b:s8+s3], $0x80, v4, vm0, $0xb8;
	[tilespmem:$0x1D280] =	vst v63  }
0x94: {  	s25 =	simm.s32 $0x14000;
	v3 =	vadd.s32 v1, v3  }
0x95: {  	[tilespmem:s25], [sflag:$0x2] =	stream.indirect_vreg.gather [hbm4b:s9+s3], $0x80, v4, vm0, $0xb8;
	[tilespmem:$0x1D280] =	vst v63  }
0x96: {  	s28 =	simm.s32 $0x14800  }
0x97: {  	[tilespmem:s28], [sflag:$0x2] =	stream.indirect_vreg.gather [hbm4b:s10+s3], $0x80, v4, vm0, $0xb8;
	[tilespmem:$0x1D280] =	vst v63  }
0x98: {  	s20 =	simm.s32 $0x15000  }
0x99: {  	[tilespmem:s20], [sflag:$0x2] =	stream.indirect_vreg.gather [hbm4b:s2+s3], $0x80, v3, vm0, $0xb8;
	[tilespmem:$0x1D280] =	vst v63  }
0x9a: {  	s21 =	simm.s32 $0x15800  }
0x9b: {  	[tilespmem:s21], [sflag:$0x2] =	stream.indirect_vreg.gather [hbm4b:s8+s3], $0x80, v3, vm0, $0xb8;
	[tilespmem:$0x1D280] =	vst v63  }
0x9c: {  	s22 =	simm.s32 $0x16000  }
0x9d: {  	[tilespmem:s22], [sflag:$0x2] =	stream.indirect_vreg.gather [hbm4b:s9+s3], $0x80, v3, vm0, $0xb8;
	[tilespmem:$0x1D280] =	vst v63  }
0x9e: {  	s25 =	simm.s32 $0x16800  }
0x9f: {  	[tilespmem:s25], [sflag:$0x2] =	stream.indirect_vreg.gather [hbm4b:s10+s3], $0x80, v3, vm0, $0xb8;
	[tilespmem:$0x1D280] =	vst v63  }
0xa0: {  	v3 =	vld [tilespmem:$0x60];
	_ =	sdelay $0x4  }
0xa1: {  	v4 =	vshll.u32 v3, $0x3  }
0xa2: {  	v3 =	vand.u32 $0x7, v3;
	v4 =	vand.u32 $0xFFFFFFC0, v4  }
0xa3: {  	v3 =	vor.u32 v3, v4  }
0xa4: {  	v4 =	vperm.xlane v3, v0;
	_ =	sdelay $0x1  }
0xa5: {  	v4 =	vadd.s32 v1, v4;
	_ =	sdelay $0x3  }
0xa6: {  	s28 =	simm.s32 $0x17000  }
0xa7: {  	[tilespmem:s28], [sflag:$0x2] =	stream.indirect_vreg.gather [hbm4b:s2+s3], $0x80, v4, vm0, $0xb8;
	[tilespmem:$0x1D280] =	vst v63  }
0xa8: {  	s20 =	simm.s32 $0x17800;
	v3 =	vperm.xlane v3, v2  }
0xa9: {  	[tilespmem:s20], [sflag:$0x2] =	stream.indirect_vreg.gather [hbm4b:s8+s3], $0x80, v4, vm0, $0xb8;
	[tilespmem:$0x1D280] =	vst v63  }
0xaa: {  	s21 =	simm.s32 $0x18000;
	v3 =	vadd.s32 v1, v3  }
0xab: {  	[tilespmem:s21], [sflag:$0x2] =	stream.indirect_vreg.gather [hbm4b:s9+s3], $0x80, v4, vm0, $0xb8;
	[tilespmem:$0x1D280] =	vst v63  }
0xac: {  	s22 =	simm.s32 $0x18800  }
0xad: {  	[tilespmem:s22], [sflag:$0x2] =	stream.indirect_vreg.gather [hbm4b:s10+s3], $0x80, v4, vm0, $0xb8;
	[tilespmem:$0x1D280] =	vst v63  }
0xae: {  	_ = 	snop  }
0xaf: {  	[tilespmem:s29], [sflag:$0x2] =	stream.indirect_vreg.gather [hbm4b:s2+s3], $0x80, v3, vm0, $0xb8;
	[tilespmem:$0x1D280] =	vst v63  }
0xb0: {  	s25 =	simm.s32 $0x19800  }
0xb1: {  	[tilespmem:s25], [sflag:$0x2] =	stream.indirect_vreg.gather [hbm4b:s8+s3], $0x80, v3, vm0, $0xb8;
	[tilespmem:$0x1D280] =	vst v63  }
0xb2: {  	_ = 	snop  }
0xb3: {  	[tilespmem:s31], [sflag:$0x2] =	stream.indirect_vreg.gather [hbm4b:s9+s3], $0x80, v3, vm0, $0xb8;
	[tilespmem:$0x1D280] =	vst v63  }
0xb4: {  	_ = 	snop  }
0xb5: {  	[tilespmem:s1], [sflag:$0x2] =	stream.indirect_vreg.gather [hbm4b:s10+s3], $0x80, v3, vm0, $0xb8;
	[tilespmem:$0x1D280] =	vst v63  }
0xb6: {  	v3 =	vld.msk [tilespmem:$0x70], $0xff;
	_ =	sdelay $0x4  }
0xb7: {  	v4 =	vshll.u32 v3, $0x3  }
0xb8: {  	v3 =	vand.u32 $0x7, v3;
	v4 =	vand.u32 $0xFFFFFFC0, v4  }
0xb9: {  	v3 =	vor.u32 v3, v4  }
0xba: {  	v3 =	vperm.xlane v3, v0;
	_ =	sdelay $0x1  }
0xbb: {  	v3 =	vadd.s32 v1, v3;
	_ =	sdelay $0x3  }
0xbc: {  	s0 =	simm.s32 $0x1B000  }
0xbd: {  	[tilespmem:s0], [sflag:$0x2] =	stream.indirect_vreg.gather [hbm4b:s2+s3], $0x80, v3, vm0, $0xb8;
	[tilespmem:$0x1D280] =	vst v63  }
0xbe: {  	_ = 	snop  }
0xbf: {  	[tilespmem:s6], [sflag:$0x2] =	stream.indirect_vreg.gather [hbm4b:s8+s3], $0x80, v3, vm0, $0xb8;
	[tilespmem:$0x1D280] =	vst v63  }
0xc0: {  	_ = 	snop  }
0xc1: {  	[tilespmem:s7], [sflag:$0x2] =	stream.indirect_vreg.gather [hbm4b:s9+s3], $0x80, v3, vm0, $0xb8;
	[tilespmem:$0x1D280] =	vst v63  }
0xc2: {  	_ = 	snop  }
0xc3: {  	[tilespmem:s26], [sflag:$0x2] =	stream.indirect_vreg.gather [hbm4b:s10+s3], $0x80, v3, vm0, $0xb8;
	[tilespmem:$0x1D280] =	vst v63  }
0xc4: {  	s28 =	simm.s32 $0x840  }
0xc5: {  	[tilespmem:s18], [sflag:$0x6] =	stream.indirect.gather [hbm4b:s5+s23], $0x1, s28, s23, $0xb8;
	[tilespmem:$0x1D280] =	vst v63  }
0xc6: {  	s20 =	rddreg [dreg:$0x9];
	s21 =	simm.s32 $0x0;
	s29 =	simm.s32 $0x40  }
0xc7: {  	v3 =	vimm.f32 $0.0e+00;
	[tilespmem:s30], [sflag:$0x8] =	stream.indirect.gather [hbm4b:s4+s23], $0x1, s29, s23, $0xb8;
	[tilespmem:$0x1D280] =	vst v63  }
.LBB2_2:
0xc8: {  	_ =	swait.ge [sflag:s17], $0xE000  }
0xc9: {  	[sflag:s17] =	ssyncset.done $0x0  }
0xca: {  	[sflag:s17] =	ssyncadd.s32 $0xFFFF2000  }
0xcb: {  	_ =	swait.ge [sflag:s11], $0x38  }
0xcc: {  	[sflag:s11] =	ssyncset.done $0x0  }
0xcd: {  	[sflag:s11] =	ssyncadd.s32 $0xFFFFFFC8  }
0xce: {  	_ =	swait.ge [sflag:s12], $0x38  }
0xcf: {  	[sflag:s12] =	ssyncset.done $0x0  }
0xd0: {  	[sflag:s12] =	ssyncadd.s32 $0xFFFFFFC8  }
0xd1: {  	v4 =	vld [tilespmem:$0x1D100]  }
0xd2: {  	v8 =	vld [tilespmem:$0x1D000]  }
0xd3: {  	v5 =	vld [tilespmem:$0x1D110]  }
0xd4: {  	v9 =	vld [tilespmem:$0x1D010]  }
0xd5: {  	v6 =	vld [tilespmem:$0x1D120]  }
0xd6: {  	v10 =	vld [tilespmem:$0x1D020]  }
0xd7: {  	s22 =	sadd.s32 $0xFFFFE400, s20;
	s29 =	simm.s32 $0x1000;
	v7 =	vld [tilespmem:$0x1D128]  }
0xd8: {  	v11 =	vld [tilespmem:$0x1D028];
	[hbm4b:s22+s3] =	stream.linear.scatter [tilespmem:s29], [sflag:$0x3], $0xE000, $0x38  }
0xd9: {  	_ =	swait.ge [sflag:s13], $0xE000  }
0xda: {  	[sflag:s13] =	ssyncset.done $0x0  }
0xdb: {  	s22 =	sshra.s32 s21, $0x2;
	[sflag:s13] =	ssyncadd.s32 $0xFFFF2000  }
0xdc: {  	v12 =	vld [tilespmem:s22+$0x80];
	_ =	sdelay $0x4  }
0xdd: {  	v13 =	vshll.u32 v12, $0x3  }
0xde: {  	v12 =	vand.u32 $0x7, v12;
	v13 =	vand.u32 $0xFFFFFFC0, v13  }
0xdf: {  	v12 =	vor.u32 v12, v13  }
0xe0: {  	v13 =	vperm.xlane v12, v0;
	_ =	sdelay $0x1  }
0xe1: {  	v13 =	vadd.s32 v1, v13;
	_ =	sdelay $0x4  }
0xe2: {  	[tilespmem:s29], [sflag:$0x1] =	stream.indirect_vreg.gather [hbm4b:s2+s3], $0x80, v13, vm0, $0xb8;
	[tilespmem:$0x1D280] =	vst v63  }
0xe3: {  	v12 =	vperm.xlane v12, v2  }
0xe4: {  	[tilespmem:s24], [sflag:$0x1] =	stream.indirect_vreg.gather [hbm4b:s8+s3], $0x80, v13, vm0, $0xb8;
	[tilespmem:$0x1D280] =	vst v63  }
0xe5: {  	s25 =	simm.s32 $0x2000;
	v12 =	vadd.s32 v1, v12  }
0xe6: {  	[tilespmem:s25], [sflag:$0x1] =	stream.indirect_vreg.gather [hbm4b:s9+s3], $0x80, v13, vm0, $0xb8;
	[tilespmem:$0x1D280] =	vst v63  }
0xe7: {  	s25 =	simm.s32 $0x2800  }
0xe8: {  	[tilespmem:s25], [sflag:$0x1] =	stream.indirect_vreg.gather [hbm4b:s10+s3], $0x80, v13, vm0, $0xb8;
	[tilespmem:$0x1D280] =	vst v63  }
0xe9: {  	s25 =	simm.s32 $0x3000  }
0xea: {  	[tilespmem:s25], [sflag:$0x1] =	stream.indirect_vreg.gather [hbm4b:s2+s3], $0x80, v12, vm0, $0xb8;
	[tilespmem:$0x1D280] =	vst v63  }
0xeb: {  	s25 =	simm.s32 $0x3800  }
0xec: {  	[tilespmem:s25], [sflag:$0x1] =	stream.indirect_vreg.gather [hbm4b:s8+s3], $0x80, v12, vm0, $0xb8;
	[tilespmem:$0x1D280] =	vst v63  }
0xed: {  	s25 =	simm.s32 $0x4000  }
0xee: {  	[tilespmem:s25], [sflag:$0x1] =	stream.indirect_vreg.gather [hbm4b:s9+s3], $0x80, v12, vm0, $0xb8;
	[tilespmem:$0x1D280] =	vst v63  }
0xef: {  	s25 =	simm.s32 $0x4800  }
0xf0: {  	[tilespmem:s25], [sflag:$0x1] =	stream.indirect_vreg.gather [hbm4b:s10+s3], $0x80, v12, vm0, $0xb8;
	[tilespmem:$0x1D280] =	vst v63  }
0xf1: {  	v12 =	vld [tilespmem:s22+$0x90];
	_ =	sdelay $0x4  }
0xf2: {  	v56 =	vshll.u32 v12, $0x3  }
0xf3: {  	v12 =	vand.u32 $0x7, v12;
	v13 =	vand.u32 $0xFFFFFFC0, v56  }
0xf4: {  	v12 =	vor.u32 v12, v13  }
0xf5: {  	v13 =	vperm.xlane v12, v0;
	_ =	sdelay $0x1  }
0xf6: {  	v13 =	vadd.s32 v1, v13;
	_ =	sdelay $0x3  }
0xf7: {  	s25 =	simm.s32 $0x5000  }
0xf8: {  	[tilespmem:s25], [sflag:$0x1] =	stream.indirect_vreg.gather [hbm4b:s2+s3], $0x80, v13, vm0, $0xb8;
	[tilespmem:$0x1D280] =	vst v63  }
0xf9: {  	v12 =	vperm.xlane v12, v2;
	s25 =	simm.s32 $0x5800  }
0xfa: {  	[tilespmem:s25], [sflag:$0x1] =	stream.indirect_vreg.gather [hbm4b:s8+s3], $0x80, v13, vm0, $0xb8;
	[tilespmem:$0x1D280] =	vst v63  }
0xfb: {  	v12 =	vadd.s32 v1, v12;
	s25 =	simm.s32 $0x6000  }
0xfc: {  	[tilespmem:s25], [sflag:$0x1] =	stream.indirect_vreg.gather [hbm4b:s9+s3], $0x80, v13, vm0, $0xb8;
	[tilespmem:$0x1D280] =	vst v63  }
0xfd: {  	s25 =	simm.s32 $0x6800  }
0xfe: {  	[tilespmem:s25], [sflag:$0x1] =	stream.indirect_vreg.gather [hbm4b:s10+s3], $0x80, v13, vm0, $0xb8;
	[tilespmem:$0x1D280] =	vst v63  }
0xff: {  	s25 =	simm.s32 $0x7000  }
0x100: {  	[tilespmem:s25], [sflag:$0x1] =	stream.indirect_vreg.gather [hbm4b:s2+s3], $0x80, v12, vm0, $0xb8;
	[tilespmem:$0x1D280] =	vst v63  }
0x101: {  	s25 =	simm.s32 $0x7800  }
0x102: {  	[tilespmem:s25], [sflag:$0x1] =	stream.indirect_vreg.gather [hbm4b:s8+s3], $0x80, v12, vm0, $0xb8;
	[tilespmem:$0x1D280] =	vst v63  }
0x103: {  	s25 =	simm.s32 $0x8000  }
0x104: {  	[tilespmem:s25], [sflag:$0x1] =	stream.indirect_vreg.gather [hbm4b:s9+s3], $0x80, v12, vm0, $0xb8;
	[tilespmem:$0x1D280] =	vst v63  }
0x105: {  	s25 =	simm.s32 $0x8800  }
0x106: {  	[tilespmem:s25], [sflag:$0x1] =	stream.indirect_vreg.gather [hbm4b:s10+s3], $0x80, v12, vm0, $0xb8;
	[tilespmem:$0x1D280] =	vst v63  }
0x107: {  	v12 =	vld [tilespmem:s22+$0xA0];
	_ =	sdelay $0x4  }
0x108: {  	v57 =	vshll.u32 v12, $0x3  }
0x109: {  	v12 =	vand.u32 $0x7, v12;
	v13 =	vand.u32 $0xFFFFFFC0, v57  }
0x10a: {  	v12 =	vor.u32 v12, v13  }
0x10b: {  	v13 =	vperm.xlane v12, v0;
	_ =	sdelay $0x1  }
0x10c: {  	v13 =	vadd.s32 v1, v13;
	_ =	sdelay $0x3  }
0x10d: {  	s25 =	simm.s32 $0x9000  }
0x10e: {  	[tilespmem:s25], [sflag:$0x1] =	stream.indirect_vreg.gather [hbm4b:s2+s3], $0x80, v13, vm0, $0xb8;
	[tilespmem:$0x1D280] =	vst v63  }
0x10f: {  	v12 =	vperm.xlane v12, v2;
	s25 =	simm.s32 $0x9800  }
0x110: {  	[tilespmem:s25], [sflag:$0x1] =	stream.indirect_vreg.gather [hbm4b:s8+s3], $0x80, v13, vm0, $0xb8;
	[tilespmem:$0x1D280] =	vst v63  }
0x111: {  	v12 =	vadd.s32 v1, v12;
	s25 =	simm.s32 $0xA000  }
0x112: {  	[tilespmem:s25], [sflag:$0x1] =	stream.indirect_vreg.gather [hbm4b:s9+s3], $0x80, v13, vm0, $0xb8;
	[tilespmem:$0x1D280] =	vst v63  }
0x113: {  	s25 =	simm.s32 $0xA800  }
0x114: {  	[tilespmem:s25], [sflag:$0x1] =	stream.indirect_vreg.gather [hbm4b:s10+s3], $0x80, v13, vm0, $0xb8;
	[tilespmem:$0x1D280] =	vst v63  }
0x115: {  	s25 =	simm.s32 $0xB000  }
0x116: {  	[tilespmem:s25], [sflag:$0x1] =	stream.indirect_vreg.gather [hbm4b:s2+s3], $0x80, v12, vm0, $0xb8;
	[tilespmem:$0x1D280] =	vst v63  }
0x117: {  	s25 =	simm.s32 $0xB800  }
0x118: {  	[tilespmem:s25], [sflag:$0x1] =	stream.indirect_vreg.gather [hbm4b:s8+s3], $0x80, v12, vm0, $0xb8;
	[tilespmem:$0x1D280] =	vst v63  }
0x119: {  	s25 =	simm.s32 $0xC000  }
0x11a: {  	[tilespmem:s25], [sflag:$0x1] =	stream.indirect_vreg.gather [hbm4b:s9+s3], $0x80, v12, vm0, $0xb8;
	[tilespmem:$0x1D280] =	vst v63  }
0x11b: {  	s25 =	simm.s32 $0xC800  }
0x11c: {  	[tilespmem:s25], [sflag:$0x1] =	stream.indirect_vreg.gather [hbm4b:s10+s3], $0x80, v12, vm0, $0xb8;
	[tilespmem:$0x1D280] =	vst v63  }
0x11d: {  	v12 =	vld.msk [tilespmem:s22+$0xB0], $0xff;
	_ =	sdelay $0x4  }
0x11e: {  	v58 =	vshll.u32 v12, $0x3  }
0x11f: {  	v12 =	vand.u32 $0x7, v12;
	v13 =	vand.u32 $0xFFFFFFC0, v58  }
0x120: {  	v12 =	vor.u32 v12, v13  }
0x121: {  	v12 =	vperm.xlane v12, v0;
	_ =	sdelay $0x1  }
0x122: {  	v12 =	vadd.s32 v1, v12;
	_ =	sdelay $0x3  }
0x123: {  	s25 =	simm.s32 $0xD000  }
0x124: {  	[tilespmem:s25], [sflag:$0x1] =	stream.indirect_vreg.gather [hbm4b:s2+s3], $0x80, v12, vm0, $0xb8;
	[tilespmem:$0x1D280] =	vst v63  }
0x125: {  	s25 =	simm.s32 $0xD800  }
0x126: {  	[tilespmem:s25], [sflag:$0x1] =	stream.indirect_vreg.gather [hbm4b:s8+s3], $0x80, v12, vm0, $0xb8;
	[tilespmem:$0x1D280] =	vst v63  }
0x127: {  	s25 =	simm.s32 $0xE000  }
0x128: {  	[tilespmem:s25], [sflag:$0x1] =	stream.indirect_vreg.gather [hbm4b:s9+s3], $0x80, v12, vm0, $0xb8;
	[tilespmem:$0x1D280] =	vst v63  }
0x129: {  	s25 =	simm.s32 $0xE800  }
0x12a: {  	[tilespmem:s25], [sflag:$0x1] =	stream.indirect_vreg.gather [hbm4b:s10+s3], $0x80, v12, vm0, $0xb8;
	[tilespmem:$0x1D280] =	vst v63  }
0x12b: {  	s24 =	sadd.s32 $0x880, s22;
	s25 =	simm.s32 $0x1D000  }
0x12c: {  	[tilespmem:s25], [sflag:$0x5] =	stream.indirect.gather [hbm4b:s5+s23], $0x1, s24, s23, $0xb8;
	[tilespmem:$0x1D280] =	vst v63  }
0x12d: {  	s24 =	sadd.s32 $0x80, s22;
	s25 =	simm.s32 $0x1D100  }
0x12e: {  	[tilespmem:s25], [sflag:$0x7] =	stream.indirect.gather [hbm4b:s4+s23], $0x1, s24, s23, $0xb8;
	[tilespmem:$0x1D280] =	vst v63  }
0x12f: {  	_ =	swait.ge [sflag:s14], $0xE000  }
0x130: {  	[sflag:s14] =	ssyncset.done $0x0  }
0x131: {  	[sflag:s14] =	ssyncadd.s32 $0xFFFF2000  }
0x132: {  	_ =	swait.ge [sflag:s15], $0x38  }
0x133: {  	[sflag:s15] =	ssyncset.done $0x0  }
0x134: {  	[sflag:s15] =	ssyncadd.s32 $0xFFFFFFC8  }
0x135: {  	_ =	swait.ge [sflag:s16], $0x38  }
0x136: {  	[sflag:s16] =	ssyncset.done $0x0  }
0x137: {  	[sflag:s16] =	ssyncadd.s32 $0xFFFFFFC8  }
0x138: {  	v59 =	vld [tilespmem:$0x1D180]  }
0x139: {  	v60 =	vld [tilespmem:$0x1D080]  }
0x13a: {  	v14 =	vld [tilespmem:$0x1D190]  }
0x13b: {  	v15 =	vld [tilespmem:$0x1D090]  }
0x13c: {  	v16 =	vld [tilespmem:$0x1D1A0]  }
0x13d: {  	v17 =	vld [tilespmem:$0x1D0A0]  }
0x13e: {  	s24 =	simm.s32 $0xF000;
	v18 =	vld [tilespmem:$0x1D1A8]  }
0x13f: {  	v19 =	vld [tilespmem:$0x1D0A8];
	[hbm4b:s20+s3] =	stream.linear.scatter [tilespmem:s24], [sflag:$0x4], $0xE000, $0x38  }
0x140: {  	_ =	swait.ge [sflag:s19], $0xE000  }
0x141: {  	[sflag:s19] =	ssyncset.done $0x0  }
0x142: {  	[sflag:s19] =	ssyncadd.s32 $0xFFFF2000  }
0x143: {  	v20 =	vld [tilespmem:s22+$0xC0];
	_ =	sdelay $0x4  }
0x144: {  	v21 =	vshll.u32 v20, $0x3  }
0x145: {  	v20 =	vand.u32 $0x7, v20;
	v21 =	vand.u32 $0xFFFFFFC0, v21  }
0x146: {  	v20 =	vor.u32 v20, v21  }
0x147: {  	v21 =	vperm.xlane v20, v0;
	_ =	sdelay $0x1  }
0x148: {  	v21 =	vadd.s32 v1, v21;
	_ =	sdelay $0x4  }
0x149: {  	[tilespmem:s24], [sflag:$0x2] =	stream.indirect_vreg.gather [hbm4b:s2+s3], $0x80, v21, vm0, $0xb8;
	[tilespmem:$0x1D280] =	vst v63  }
0x14a: {  	v20 =	vperm.xlane v20, v2;
	s24 =	simm.s32 $0xF800  }
0x14b: {  	[tilespmem:s24], [sflag:$0x2] =	stream.indirect_vreg.gather [hbm4b:s8+s3], $0x80, v21, vm0, $0xb8;
	[tilespmem:$0x1D280] =	vst v63  }
0x14c: {  	v20 =	vadd.s32 v1, v20;
	s24 =	simm.s32 $0x10000  }
0x14d: {  	[tilespmem:s24], [sflag:$0x2] =	stream.indirect_vreg.gather [hbm4b:s9+s3], $0x80, v21, vm0, $0xb8;
	[tilespmem:$0x1D280] =	vst v63  }
0x14e: {  	s24 =	simm.s32 $0x10800  }
0x14f: {  	[tilespmem:s24], [sflag:$0x2] =	stream.indirect_vreg.gather [hbm4b:s10+s3], $0x80, v21, vm0, $0xb8;
	[tilespmem:$0x1D280] =	vst v63  }
0x150: {  	s24 =	simm.s32 $0x11000  }
0x151: {  	[tilespmem:s24], [sflag:$0x2] =	stream.indirect_vreg.gather [hbm4b:s2+s3], $0x80, v20, vm0, $0xb8;
	[tilespmem:$0x1D280] =	vst v63  }
0x152: {  	s24 =	simm.s32 $0x11800  }
0x153: {  	[tilespmem:s24], [sflag:$0x2] =	stream.indirect_vreg.gather [hbm4b:s8+s3], $0x80, v20, vm0, $0xb8;
	[tilespmem:$0x1D280] =	vst v63  }
0x154: {  	s24 =	simm.s32 $0x12000  }
0x155: {  	[tilespmem:s24], [sflag:$0x2] =	stream.indirect_vreg.gather [hbm4b:s9+s3], $0x80, v20, vm0, $0xb8;
	[tilespmem:$0x1D280] =	vst v63  }
0x156: {  	s24 =	simm.s32 $0x12800  }
0x157: {  	[tilespmem:s24], [sflag:$0x2] =	stream.indirect_vreg.gather [hbm4b:s10+s3], $0x80, v20, vm0, $0xb8;
	[tilespmem:$0x1D280] =	vst v63  }
0x158: {  	v20 =	vld [tilespmem:s22+$0xD0];
	_ =	sdelay $0x4  }
0x159: {  	v61 =	vshll.u32 v20, $0x3  }
0x15a: {  	v20 =	vand.u32 $0x7, v20;
	v21 =	vand.u32 $0xFFFFFFC0, v61  }
0x15b: {  	v20 =	vor.u32 v20, v21  }
0x15c: {  	v21 =	vperm.xlane v20, v0;
	_ =	sdelay $0x1  }
0x15d: {  	v21 =	vadd.s32 v1, v21;
	_ =	sdelay $0x3  }
0x15e: {  	s24 =	simm.s32 $0x13000  }
0x15f: {  	[tilespmem:s24], [sflag:$0x2] =	stream.indirect_vreg.gather [hbm4b:s2+s3], $0x80, v21, vm0, $0xb8;
	[tilespmem:$0x1D280] =	vst v63  }
0x160: {  	v20 =	vperm.xlane v20, v2;
	s24 =	simm.s32 $0x13800  }
0x161: {  	[tilespmem:s24], [sflag:$0x2] =	stream.indirect_vreg.gather [hbm4b:s8+s3], $0x80, v21, vm0, $0xb8;
	[tilespmem:$0x1D280] =	vst v63  }
0x162: {  	v20 =	vadd.s32 v1, v20;
	s24 =	simm.s32 $0x14000  }
0x163: {  	[tilespmem:s24], [sflag:$0x2] =	stream.indirect_vreg.gather [hbm4b:s9+s3], $0x80, v21, vm0, $0xb8;
	[tilespmem:$0x1D280] =	vst v63  }
0x164: {  	s24 =	simm.s32 $0x14800  }
0x165: {  	[tilespmem:s24], [sflag:$0x2] =	stream.indirect_vreg.gather [hbm4b:s10+s3], $0x80, v21, vm0, $0xb8;
	[tilespmem:$0x1D280] =	vst v63  }
0x166: {  	s24 =	simm.s32 $0x15000  }
0x167: {  	[tilespmem:s24], [sflag:$0x2] =	stream.indirect_vreg.gather [hbm4b:s2+s3], $0x80, v20, vm0, $0xb8;
	[tilespmem:$0x1D280] =	vst v63  }
0x168: {  	s24 =	simm.s32 $0x15800  }
0x169: {  	[tilespmem:s24], [sflag:$0x2] =	stream.indirect_vreg.gather [hbm4b:s8+s3], $0x80, v20, vm0, $0xb8;
	[tilespmem:$0x1D280] =	vst v63  }
0x16a: {  	s24 =	simm.s32 $0x16000  }
0x16b: {  	[tilespmem:s24], [sflag:$0x2] =	stream.indirect_vreg.gather [hbm4b:s9+s3], $0x80, v20, vm0, $0xb8;
	[tilespmem:$0x1D280] =	vst v63  }
0x16c: {  	s24 =	simm.s32 $0x16800  }
0x16d: {  	[tilespmem:s24], [sflag:$0x2] =	stream.indirect_vreg.gather [hbm4b:s10+s3], $0x80, v20, vm0, $0xb8;
	[tilespmem:$0x1D280] =	vst v63  }
0x16e: {  	v20 =	vld [tilespmem:s22+$0xE0];
	_ =	sdelay $0x4  }
0x16f: {  	v62 =	vshll.u32 v20, $0x3  }
0x170: {  	v20 =	vand.u32 $0x7, v20;
	v21 =	vand.u32 $0xFFFFFFC0, v62  }
0x171: {  	v20 =	vor.u32 v20, v21  }
0x172: {  	v21 =	vperm.xlane v20, v0;
	_ =	sdelay $0x1  }
0x173: {  	v21 =	vadd.s32 v1, v21;
	_ =	sdelay $0x3  }
0x174: {  	s24 =	simm.s32 $0x17000  }
0x175: {  	[tilespmem:s24], [sflag:$0x2] =	stream.indirect_vreg.gather [hbm4b:s2+s3], $0x80, v21, vm0, $0xb8;
	[tilespmem:$0x1D280] =	vst v63  }
0x176: {  	v20 =	vperm.xlane v20, v2;
	s24 =	simm.s32 $0x17800  }
0x177: {  	[tilespmem:s24], [sflag:$0x2] =	stream.indirect_vreg.gather [hbm4b:s8+s3], $0x80, v21, vm0, $0xb8;
	[tilespmem:$0x1D280] =	vst v63  }
0x178: {  	v20 =	vadd.s32 v1, v20;
	s24 =	simm.s32 $0x18000  }
0x179: {  	[tilespmem:s24], [sflag:$0x2] =	stream.indirect_vreg.gather [hbm4b:s9+s3], $0x80, v21, vm0, $0xb8;
	[tilespmem:$0x1D280] =	vst v63  }
0x17a: {  	s24 =	simm.s32 $0x18800  }
0x17b: {  	[tilespmem:s24], [sflag:$0x2] =	stream.indirect_vreg.gather [hbm4b:s10+s3], $0x80, v21, vm0, $0xb8;
	[tilespmem:$0x1D280] =	vst v63  }
0x17c: {  	s29 =	simm.s32 $0x19000  }
0x17d: {  	[tilespmem:s29], [sflag:$0x2] =	stream.indirect_vreg.gather [hbm4b:s2+s3], $0x80, v20, vm0, $0xb8;
	[tilespmem:$0x1D280] =	vst v63  }
0x17e: {  	s24 =	simm.s32 $0x19800  }
0x17f: {  	[tilespmem:s24], [sflag:$0x2] =	stream.indirect_vreg.gather [hbm4b:s8+s3], $0x80, v20, vm0, $0xb8;
	[tilespmem:$0x1D280] =	vst v63  }
0x180: {  	_ = 	snop  }
0x181: {  	[tilespmem:s31], [sflag:$0x2] =	stream.indirect_vreg.gather [hbm4b:s9+s3], $0x80, v20, vm0, $0xb8;
	[tilespmem:$0x1D280] =	vst v63  }
0x182: {  	_ = 	snop  }
0x183: {  	[tilespmem:s1], [sflag:$0x2] =	stream.indirect_vreg.gather [hbm4b:s10+s3], $0x80, v20, vm0, $0xb8;
	[tilespmem:$0x1D280] =	vst v63  }
0x184: {  	v20 =	vld.msk [tilespmem:s22+$0xF0], $0xff;
	_ =	sdelay $0x4  }
0x185: {  	v63 =	vshll.u32 v20, $0x3  }
0x186: {  	v20 =	vand.u32 $0x7, v20;
	v21 =	vand.u32 $0xFFFFFFC0, v63  }
0x187: {  	v20 =	vor.u32 v20, v21  }
0x188: {  	v20 =	vperm.xlane v20, v0;
	_ =	sdelay $0x1  }
0x189: {  	v4 =	vsub.f32 v4, v8;
	v20 =	vadd.s32 v1, v20;
	_ =	sdelay $0x1  }
0x18a: {  	v3 =	vadd.f32 v4, v3;
	v4 =	vsub.f32 v5, v9;
	_ =	sdelay $0x1  }
0x18b: {  	v3 =	vadd.f32 v4, v3;
	v4 =	vsub.f32 v6, v10  }
0x18c: {  	v5 =	vsub.f32 v7, v11;
	[tilespmem:s0], [sflag:$0x2] =	stream.indirect_vreg.gather [hbm4b:s2+s3], $0x80, v20, vm0, $0xb8;
	[tilespmem:$0x1D280] =	vst v63  }
0x18d: {  	v3 =	vadd.f32 v4, v3  }
0x18e: {  	v4 =	vsel vm1, $0x0, v5;
	[tilespmem:s6], [sflag:$0x2] =	stream.indirect_vreg.gather [hbm4b:s8+s3], $0x80, v20, vm0, $0xb8;
	[tilespmem:$0x1D280] =	vst v63  }
0x18f: {  	v3 =	vadd.f32 v4, v3;
	v4 =	vsub.f32 v59, v60  }
0x190: {  	[tilespmem:s7], [sflag:$0x2] =	stream.indirect_vreg.gather [hbm4b:s9+s3], $0x80, v20, vm0, $0xb8;
	[tilespmem:$0x1D280] =	vst v63  }
0x191: {  	p0 =	sne.s32 s21, $0x1C00;
	v3 =	vadd.f32 v4, v3;
	v4 =	vsub.f32 v14, v15  }
0x192: {  	[tilespmem:s26], [sflag:$0x2] =	stream.indirect_vreg.gather [hbm4b:s10+s3], $0x80, v20, vm0, $0xb8;
	[tilespmem:$0x1D280] =	vst v63  }
.Ltmp0:
0x193: {  	s28 =	simm.s32 $0x1000;
	v3 =	vadd.f32 v4, v3;
	v4 =	vsub.f32 v16, v17;
	(pc) =	sbr.rel @p0 .LBB2_2-.Ltmp0, $4  }
0x194: {  	s21 =	sadd.s32 $0x200, s21;
	s25 =	simm.s32 $0xF000;
	v5 =	vsub.f32 v18, v19;
	s24 =	sadd.s32 $0x8C0, s22  }
0x195: {  	v3 =	vadd.f32 v4, v3;
	[tilespmem:s18], [sflag:$0x6] =	stream.indirect.gather [hbm4b:s5+s23], $0x1, s24, s23, $0xb8;
	[tilespmem:$0x1D280] =	vst v63  }
0x196: {  	s20 =	sadd.s32 $0x3800, s20;
	v4 =	vsel vm1, $0x0, v5;
	s22 =	sadd.s32 $0xC0, s22;
	s24 =	simm.s32 $0x1800  }
0x197: {  	v3 =	vadd.f32 v4, v3;
	[tilespmem:s30], [sflag:$0x8] =	stream.indirect.gather [hbm4b:s4+s23], $0x1, s22, s23, $0xb8;
	[tilespmem:$0x1D280] =	vst v63  }
0x198: {  	_ =	swait.ge [sflag:s17], $0xE000  }
0x199: {  	[sflag:s17] =	ssyncset.done $0x0  }
0x19a: {  	[sflag:s17] =	ssyncadd.s32 $0xFFFF2000  }
0x19b: {  	_ =	swait.ge [sflag:s11], $0x38  }
0x19c: {  	[sflag:s11] =	ssyncset.done $0x0  }
0x19d: {  	[sflag:s11] =	ssyncadd.s32 $0xFFFFFFC8  }
0x19e: {  	_ =	swait.ge [sflag:s12], $0x38  }
0x19f: {  	[sflag:s12] =	ssyncset.done $0x0  }
0x1a0: {  	[sflag:s12] =	ssyncadd.s32 $0xFFFFFFC8  }
0x1a1: {  	v4 =	vld [tilespmem:$0x1D100]  }
0x1a2: {  	v5 =	vld [tilespmem:$0x1D000]  }
0x1a3: {  	v6 =	vld [tilespmem:$0x1D110]  }
0x1a4: {  	v7 =	vld [tilespmem:$0x1D010]  }
0x1a5: {  	v8 =	vld [tilespmem:$0x1D120]  }
0x1a6: {  	v9 =	vld [tilespmem:$0x1D020]  }
0x1a7: {  	s21 =	simm.s32 $0x9;
	s20 =	rddreg [dreg:$0x5];
	v10 =	vld [tilespmem:$0x1D128]  }
0x1a8: {  	v11 =	vld [tilespmem:$0x1D028];
	[hbm4b:s20+s3] =	stream.linear.scatter [tilespmem:s28], [sflag:$0x9], $0xE000, $0x38  }
0x1a9: {  	_ =	swait.ge [sflag:s21], $0xE000  }
0x1aa: {  	[sflag:s21] =	ssyncset.done $0x0  }
0x1ab: {  	[sflag:s21] =	ssyncadd.s32 $0xFFFF2000  }
0x1ac: {  	_ =	swait.ge [sflag:s14], $0xE000  }
0x1ad: {  	[sflag:s14] =	ssyncset.done $0x0  }
0x1ae: {  	[sflag:s14] =	ssyncadd.s32 $0xFFFF2000  }
0x1af: {  	_ =	swait.ge [sflag:s15], $0x38  }
0x1b0: {  	[sflag:s15] =	ssyncset.done $0x0  }
0x1b1: {  	[sflag:s15] =	ssyncadd.s32 $0xFFFFFFC8  }
0x1b2: {  	_ =	swait.ge [sflag:s16], $0x38  }
0x1b3: {  	[sflag:s16] =	ssyncset.done $0x0  }
0x1b4: {  	v4 =	vsub.f32 v4, v5;
	[sflag:s16] =	ssyncadd.s32 $0xFFFFFFC8  }
0x1b5: {  	v50 =	vld [tilespmem:$0x1D180]  }
0x1b6: {  	v51 =	vsub.f32 v6, v7;
	v3 =	vadd.f32 v4, v3;
	v52 =	vld [tilespmem:$0x1D080]  }
0x1b7: {  	v53 =	vld [tilespmem:$0x1D190]  }
0x1b8: {  	v54 =	vsub.f32 v8, v9;
	v3 =	vadd.f32 v51, v3;
	v55 =	vld [tilespmem:$0x1D090]  }
0x1b9: {  	v56 =	vsub.f32 v10, v11;
	v57 =	vld [tilespmem:$0x1D1A0]  }
0x1ba: {  	v3 =	vadd.f32 v54, v3;
	v58 =	vld [tilespmem:$0x1D0A0]  }
0x1bb: {  	v9 =	vsel vm1, $0x0, v56;
	v59 =	vld [tilespmem:$0x1D1A8]  }
0x1bc: {  	v3 =	vadd.f32 v9, v3;
	v60 =	vld [tilespmem:$0x1D0A8];
	v5 =	vsub.f32 v50, v52;
	_ =	sdelay $0x1  }
0x1bd: {  	v61 =	vsub.f32 v53, v55;
	v3 =	vadd.f32 v5, v3;
	_ =	sdelay $0x1  }
0x1be: {  	v4 =	vsub.f32 v57, v58;
	v3 =	vadd.f32 v61, v3  }
0x1bf: {  	s0 =	rddreg [dreg:$0x6];
	v62 =	vsub.f32 v59, v60  }
0x1c0: {  	[hbm4b:s0+s3] =	stream.linear.scatter [tilespmem:s25], [sflag:$0x9], $0xE000, $0x38;
	v3 =	vadd.f32 v4, v3;
	[tilespmem:$0x1D280] =	vst v63  }
0x1c1: {  	_ =	swait.ge [sflag:s21], $0xE000;
	v63 =	vsel vm1, $0x0, v62  }
0x1c2: {  	[sflag:s21] =	ssyncset.done $0x0;
	v3 =	vadd.f32 v63, v3  }
0x1c3: {  	[sflag:s21] =	ssyncadd.s32 $0xFFFF2000  }
0x1c4: {  	s0 =	simm.s32 $0x1D200;
	s22 =	rddreg [dreg:$0x7];
	[tilespmem:$0x1D200] =	vst v3  }
0x1c5: {  	[hbm4b:s22+s3] =	stream.linear.scatter [tilespmem:s0], [sflag:$0x9], $0x80, $0x38;
	[tilespmem:$0x1D280] =	vst v63  }
0x1c6: {  	_ =	swait.ge [sflag:s21], $0x80  }
0x1c7: {  	s20 =	rddreg [dreg:$0xa]  }
0x1c8: {  	s22 =	rddreg [dreg:$0x8];
	s0 =	sadd.s32 $0x1, s20  }
0x1c9: {  	p0 =	sne.s32 s0, s22  }
.Ltmp1:
0x1ca: {  	_ = 	snop;
	(pc) =	sbr.rel @p0 .LBB2_1-.Ltmp1, $3  }
0x1cb: {  	_ =	sdelay $0x1  }
0x1cc: {  	[sflag:s21] =	ssyncset.done $0x0  }
0x1cd: {  	[sflag:s21] =	ssyncadd.s32 $0xFFFFFF80  }
0x1ce: {  	_ =	sfence.sel $0x180000  }
0x1cf: {  	[bflag:$0x0] =	sbarrier.arrive $0xFFFF  }
0x1d0: {  	_ =	strace $0x90000047  }
0x1d1: {  	s0 =	stileid.u32;
	[bflag:$0x2] =	sbarrier.arrive $0xFFFF  }
0x1d2: {  	p0 =	sne.s32 s0, $0x0;
	s0 =	rddreg [dreg:$0x2]  }
0x1d3: {  	s0 =	sadd.s32 @!p0 $0x100000, s0  }
0x1d4: {  	[sflag:s0] =	ssyncadd.tile.s32 @!p0 $0x1;
	_ =	shalt  }
.Lfunc_end2:
_tile_overlayer_lowered:
.L_overlay_start_2:
0x1d5: {  	(tag) =	ssettag $0x2  }
0x1d6: {  	s0 =	rddreg [dreg:$0x0];
	s2 =	stileid.u32  }
0x1d7: {  	s1 =	rddreg [dreg:$0x1];
	p0 =	sne.s32 s2, $0x0  }
0x1d8: {  	s3 =	rddreg [dreg:$0x2];
	[bflag:$0x3] =	sbarrier.arrive $0xFFFF;
	s2 =	simm.s32 @!p0 $0x1C09  }
0x1d9: {  	[timem:s3], [sflag:s2] =	dma.local @!p0 [hbm:s0], s1  }
0x1da: {  	s0 =	simm.s32 @!p0 $0x9  }
0x1db: {  	_ =	swait.ge @!p0 [sflag:s0], s1  }
0x1dc: {  	s1 =	ssub.s32 @!p0 $0x0, s1;
	[sflag:s0] =	ssyncset.done @!p0 $0x0  }
0x1dd: {  	[sflag:s0] =	ssyncadd.s32 @!p0 s1  }
0x1de: {  	[bflag:$0x3] =	sbarrier.arrive $0xFFFF  }
0x1df: {  	_ =	shalt  }

// kernel: sparse-core-data-format-call.cloned.1.call-start
scs
called_computation_lowered:
.L_overlay_start_0:
0x0: {  	s2 =	sld [smem:$0x3FD9]  }
0x1: {  	s3 =	sld [smem:$0x3FFE];
	_ =	sdelay $0x1  }
0x2: {  	s1 =	srdreg.scid  }
0x3: {  	s0 =	sand.u32 $0x1, s1  }
0x4: {  	s15 =	sshll.u32 s0, $0xA;
	s2 =	sadd.s32 s3, s2  }
0x5: {  	s2 =	sadd.s32 s2, s15  }
0x6: {  	[smem:$0x3FC5] =	sst s2  }
0x7: {  	_ = 	snop  }
0x8: {  	s2 =	sld [smem:$0x3FD0];
	_ =	sdelay $0x2  }
0x9: {  	s16 =	simm.s32 $0xA;
	s4 =	simm.s32 $0x10  }
0xa: {  	[smem:s4], [sflag:s16] =	dma.local [hbm:s2], $0x1  }
0xb: {  	_ =	swait.eq [sflag:s16], $0x1  }
0xc: {  	[sflag:s16] =	ssyncset.done $0x0  }
0xd: {  	[sflag:s16] =	ssyncadd.s32 $0xFFFFFFFF  }
0xe: {  	s17 =	sld [smem:$0x10];
	(tm) =	ssettm $0x1  }
0xf: {  	s18 =	sld [smem:$0x3FFB];
	_ =	sdelay $0x3  }
0x10: {  	_ =	strace s18  }
0x11: {  	s3 =	sld [smem:$0x3FFC];
	_ =	sdelay $0x3  }
0x12: {  	_ =	strace s3  }
0x13: {  	s3 =	sld [smem:$0x3FFD];
	_ =	sdelay $0x3  }
0x14: {  	_ =	strace s3  }
0x15: {  	_ =	strace $0x8FFFFFFF  }
0x16: {  	s19 =	sld [smem:$0x3FDB];
	_ =	sdelay $0x1  }
0x17: {  	s20 =	simm.s32 $_scs_section_size  }
0x18: {  	s5 =	simm.s32 $_size__tile_overlayer_lowered;
	s6 =	simm.s32 $_tile_overlayer_lowered  }
0x19: {  	s23 =	simm.s32 $0x1BFF;
	s22 =	sshll.u32 s6, $0x1;
	s3 =	sadd.s32 s20, s19  }
0x1a: {  	s7 =	simm.s32 $0x0;
	s21 =	sshll.u32 s5, $0x1;
	s5 =	sadd.s32 s22, s3  }
0x1b: {  	[timem:s7], [sflag:s23] =	dma.local [hbm:s5], s21  }
0x1c: {  	_ =	swait.ge [sflag:s23], s21  }
0x1d: {  	s4 =	ssub.s32 $0x0, s21;
	[sflag:s23] =	ssyncset.done $0x0  }
0x1e: {  	[sflag:s23] =	ssyncadd.s32 s4;
	_ =	sdelay $0x1  }
0x1f: {  	s24 =	simm.s32 $0x1B8B  }
0x20: {  	_ =	swait.ge [sflag:s24], $0x1  }
0x21: {  	[sflag:s24] =	ssyncset.done $0x0  }
0x22: {  	s26 =	simm.s32 $0x1B8E;
	s25 =	sld [smem:$0x3FFE];
	[sflag:s24] =	ssyncadd.s32 $0xFFFFFFFF  }
0x23: {  	s27 =	simm.s32 $execute0_lowered;
	[smem:$0x3FD2] =	sst s26  }
0x24: {  	s5 =	sshll.u32 s27, $0x1;
	_ =	strace $0x80000049;
	[dreg:$0x1] =	wrdreg $0xFFFFFFFF  }
0x25: {  	s28 =	simm.s32 $_size_execute0_lowered;
	s3 =	sadd.s32 s3, s5;
	[dreg:$0x0] =	wrdreg $0x0  }
0x26: {  	s5 =	sshll.u32 s28, $0x1;
	[dreg:$0x2] =	wrdreg s3  }
0x27: {  	[dreg:$0x3] =	wrdreg s5  }
0x28: {  	[dreg:$0x4] =	wrdreg $0xC0  }
0x29: {  	_ =	task [dreg:s7], $0x5FFFF  }
0x2a: {  	[dreg:$0x1] =	wrdreg $0xFFFFFFFF  }
0x2b: {  	[dreg:$0x0] =	wrdreg $0x60  }
0x2c: {  	[dreg:$0x2] =	wrdreg s25  }
0x2d: {  	[dreg:$0x3] =	wrdreg s17  }
0x2e: {  	[dreg:$0x4] =	wrdreg $0x9  }
0x2f: {  	_ =	task.clear_ibuf [dreg:s7], $0x5FFFF;
	_ =	strace $0x90000049  }
0x30: {  	s29 =	simm.s32 $0x9;
	_ =	strace $0x8000004B  }
0x31: {  	_ =	swait.ge [sflag:s29], $0x1  }
0x32: {  	[sflag:s29] =	ssyncadd.s32 $0xFFFFFFFF  }
0x33: {  	_ =	strace $0x9000004B  }
0x34: {  	_ =	sfence  }
0x35: {  	s30 =	sld [smem:$0x0];
	_ =	sdelay $0x2  }
0x36: {  	s31 =	sshll.u32 s1, $0xD;
	s1 =	sshrl.u32 s1, $0x2  }
0x37: {  	s3 =	sand.u32 $0x4000, s31;
	s1 =	sadd.s32 s1, s30  }
0x38: {  	s0 =	sor.u32 s3, s0;
	s1 =	sshll.u32 s1, $0x11  }
0x39: {  	s0 =	sor.u32 s1, s0  }
0x3a: {  	s0 =	sadd.s32 $0x8F2B, s0  }
0x3b: {  	[sflag:s0] =	ssyncadd.remote.s32 $0x1  }
0x3c: {  	_ =	sfence.sel $0xFFFF  }
0x3d: {  	[dreg:$0x0] =	wrdreg $0xFFFFFFFF;
	(pc) =	sbr.abs _section_cstart, $3  }
0x3e: {  	[dreg:$0x1] =	wrdreg $0xFFFFFFFF  }
0x3f: {  	_ =	task.clear_ibuf [dreg:s7], $0x2FFFF;
	_ =	strace $0x9FFFFFFF  }
0x40: {  	(tm) =	ssettm $0x7FFFFFFF  }
0x41: {  	_ =	shalt  }
tec
execute0_lowered:
.L_overlay_start_1:
0x0: {  	(tag) =	ssettag $0x1  }
0x1: {  	s4 =	rddreg [dreg:$0x0]  }
0x2: {  	s0 =	stileid.u32;
	s2 =	rddreg [dreg:$0x1]  }
0x3: {  	s7 =	srdreg.scid;
	s31 =	simm.s32 $0x2;
	s17 =	simm.s32 $0x0  }
0x4: {  	s9 =	simm.s32 $0x2000;
	s19 =	simm.s32 $0x0;
	s18 =	simm.s32 $0x0  }
0x5: {  	s10 =	simm.s32 $0x0;
	s11 =	simm.s32 $0x0;
	s1 =	sshll.u32 s0, $0x7  }
0x6: {  	s12 =	simm.s32 $0x0;
	s14 =	simm.s32 $0x0;
	s3 =	sand.u32 $0x380, s1  }
0x7: {  	s16 =	simm.s32 $0x0;
	s4 =	sadd.s32 $0x24000, s4;
	s5 =	ssub.s32 $0x400, s3  }
0x8: {  	s8 =	sshll.u32 s0, $0x4;
	s7 =	sshll.u32 s7, $0x8;
	s6 =	sand.u32 $0x380, s5  }
0x9: {  	s1 =	rddreg [dreg:$0x2];
	p0 =	sne.s32 s6, $0x0;
	s6 =	simm.s32 $0x1  }
.Ltmp0:
0xa: {  	s5 =	sshrl.u32 s5, $0xA;
	s6 =	simm.s32 @!p0 $0x0;
	(pc) =	sbr.rel .LBB1_1-.Ltmp0, $4  }
0xb: {  	_ =	strace $0x8000004A;
	s7 =	sor.u32 s8, s7;
	s6 =	sadd.s32 s6, s5  }
0xc: {  	s7 =	sand.u32 $0x180, s7;
	s5 =	simm.s32 $0x1;
	s6 =	smul.u32 $0x64, s6  }
0xd: {  	s15 =	smov.u32 s3;
	s13 =	smov.u32 s7;
	[sflag:s5] =	ssyncpa.u1 $0x0  }
0xe: {  	p0 =	por $0x0, $0x0;
	[sflag:s31] =	ssyncpa.u1 $0x0;
	s8 =	sor.u32 $0x1, s6  }
.LBB1_4:
0xf: {  	s25 =	sshll.u32 s10, $0xA;
	s24 =	sshra.s32 s24, $0x2;
	s26 =	sshll.u32 s12, $0x3  }
0x10: {  	p1 =	sgt.s32 s11, $0x31;
	s27 =	smov.u32 s11;
	s28 =	sshra.s32 s11, $0x1F  }
0x11: {  	p2 =	sgt.s32 s12, $0x380;
	s31 =	sshra.s32 s12, $0x1F;
	s25 =	sand.u32 $0xFFFFE000, s25  }
0x12: {  	s26 =	sand.u32 $0xFFFFFC00, s26;
	s27 =	simm.s32 @!p1 $0x31;
	s28 =	sand.u32 s28, s11  }
0x13: {  	[tilespmem:s22+$0x2040 ss:$0x81] =	vst.msk $0xffff, v4;
	s23 =	sadd.s32 s24, s23;
	s29 =	sadd.s32 s26, s25;
	s25 =	ssub.s32 s27, s28  }
0x14: {  	[tilespmem:s22+$0x2850 ss:$0x81] =	vst.msk $0xffff, v3;
	s27 =	smov.u32 s12;
	s28 =	smov.u32 s10;
	s26 =	sand.u32 s31, s12  }
0x15: {  	[tilespmem:s22+$0x3060 ss:$0x81] =	vst.msk $0xffff, v2;
	s24 =	sshrl.u32 s29, $0xA;
	s30 =	sadd.s32 $0xFFFFFFCF, s25;
	s27 =	simm.s32 @!p2 $0x380  }
0x16: {  	v5 =	vld [tilespmem:s21+$0xFFFFFFD0];
	[tilespmem:s22+$0x0 ss:$0x81] =	vst.msk $0xffff, v1;
	p2 =	sgt.s32 s10, $0x368;
	s29 =	sshra.s32 s10, $0x1F;
	s22 =	ssub.s32 $0x32, s25  }
0x17: {  	v58 =	vld [tilespmem:s21+$0xFFFFFFE0];
	p1 =	sgt.s32 s30, $0x0;
	s28 =	simm.s32 @!p2 $0x368;
	s29 =	sand.u32 s29, s10  }
0x18: {  	v59 =	vld [tilespmem:s21+$0xFFFFFFF0];
	s26 =	ssub.s32 s27, s26;
	s27 =	smulhi.u32 $0x418938, s24;
	s28 =	ssub.s32 s28, s29  }
0x19: {  	v60 =	vld [tilespmem:s21+$0x0];
	s30 =	sadd.s32 $0xFFFFFC80, s26;
	s25 =	ssub.s32 $0x400, s26;
	s22 =	simm.s32 @p1 $0x0  }
0x1a: {  	v61 =	vld [tilespmem:s21+$0x10];
	[tilespmem:s23+$0x3870 ss:$0x81] =	vst.msk $0xffff, v0;
	s29 =	sand.u32 $0x78, s12;
	p2 =	sgt.s32 s30, $0x7F;
	s31 =	sadd.s32 $0xFFFFFC98, s28  }
0x1b: {  	v62 =	vld [tilespmem:s21+$0x20];
	[tilespmem:s23+$0x810 ss:$0x81] =	vst.msk $0xffff, v5;
	s27 =	smul.u32 $0x3E8, s27;
	s30 =	sshll.u32 s10, $0x7;
	s28 =	ssub.s32 $0x3E8, s28  }
0x1c: {  	v63 =	vld [tilespmem:s21+$0xFFFFFFC0];
	[tilespmem:s23+$0x1020 ss:$0x81] =	vst.msk $0xffff, v58;
	s25 =	simm.s32 @p2 $0x0;
	p1 =	sgt.s32 s31, $0x7F;
	s31 =	smul.u32 $0x1F400, s11  }
0x1d: {  	[tilespmem:s23+$0x1830 ss:$0x81] =	vst.msk $0xffff, v59;
	s21 =	sand.u32 $0x380, s30;
	s22 =	smul.u32 s25, s22;
	s28 =	simm.s32 @p1 $0x0  }
0x1e: {  	[tilespmem:s23+$0x2040 ss:$0x81] =	vst.msk $0xffff, v60;
	s21 =	sor.u32 s29, s21;
	s24 =	ssub.s32 s24, s27;
	s29 =	sand.u32 $0x7, s12  }
0x1f: {  	[tilespmem:s23+$0x2850 ss:$0x81] =	vst.msk $0xffff, v61;
	s21 =	sshrl.u32 s21, $0x3;
	s25 =	sadd.s32 s2, s31;
	s22 =	smul.u32 s28, s22  }
0x20: {  	[tilespmem:s23+$0x3060 ss:$0x81] =	vst.msk $0xffff, v62;
	s24 =	sshll.u32 s24, $0x7;
	s30 =	sshll.u32 s29, $0x12;
	s21 =	sadd.s32 s21, s25  }
0x21: {  	[tilespmem:s23+$0x0 ss:$0x81] =	vst.msk $0xffff, v63;
	s31 =	sor.u32 $0x400, s30;
	s21 =	sadd.s32 s24, s21;
	s22 =	sand.u32 $0x3FFFFFFF, s22  }
0x22: {  	[hbm4b:s21+s31] =	stream.strided.scatter [tilespmem:s20], [sflag:$0x2], s22, s9, s31, $0x20;
	[tilespmem:$0x10100] =	vst v63  }
.LBB1_5:
0x23: {  	p1 =	slt.u32 s16, $0x2  }
0x24: {  	p2 =	sgt.s32 @!p1 s19, $0x31  }
0x25: {  	s20 =	smov.u32 s19;
	s21 =	sshra.s32 @!p1 s19, $0x1F;
	p2 =	por !p2, p1  }
0x26: {  	s19 =	sand.u32 @!p1 s21, s19;
	s20 =	simm.s32 @p2 $0x31  }
0x27: {  	p3 =	sgt.s32 @!p1 s17, $0x368;
	s19 =	ssub.s32 @!p1 s20, s19  }
0x28: {  	p4 =	sgt.s32 @!p1 s18, $0x380;
	s22 =	sshra.s32 @!p1 s18, $0x1F;
	s20 =	sadd.s32 @!p1 $0xFFFFFFCF, s19  }
0x29: {  	s21 =	smov.u32 s17;
	p2 =	sgt.s32 @!p1 s20, $0x0;
	s20 =	sshra.s32 @!p1 s17, $0x1F  }
0x2a: {  	p4 =	por !p4, p1;
	s17 =	sand.u32 @!p1 s20, s17;
	s20 =	smov.u32 s18  }
0x2b: {  	p3 =	por !p3, p1;
	s18 =	sand.u32 @!p1 s22, s18;
	s20 =	simm.s32 @p4 $0x380  }
0x2c: {  	s21 =	simm.s32 @p3 $0x368;
	s19 =	ssub.s32 @!p1 $0x32, s19;
	s18 =	ssub.s32 @!p1 s20, s18  }
0x2d: {  	p2 =	por !p2, p1;
	s17 =	ssub.s32 @!p1 s21, s17;
	s21 =	sadd.s32 @!p1 $0xFFFFFC80, s18  }
0x2e: {  	s19 =	simm.s32 @!p2 $0x0;
	p3 =	sgt.s32 @!p1 s21, $0x7F  }
0x2f: {  	s20 =	sadd.s32 @!p1 $0xFFFFFC98, s17;
	s18 =	ssub.s32 @!p1 $0x400, s18;
	p3 =	por !p3, p1  }
0x30: {  	p2 =	sgt.s32 @!p1 s20, $0x7F;
	s20 =	sadd.s32 $0x200, s13;
	s18 =	simm.s32 @!p3 $0x0  }
0x31: {  	p3 =	sgt.s32 s20, $0x3E7;
	s18 =	smul.u32 @!p1 s18, s19;
	s19 =	simm.s32 $0x1  }
0x32: {  	s17 =	ssub.s32 @!p1 $0x3E8, s17;
	p2 =	por !p2, p1;
	s19 =	simm.s32 @!p3 $0x0  }
0x33: {  	s22 =	smov.u32 s15;
	s17 =	simm.s32 @!p2 $0x0;
	s21 =	sadd.s32 s19, s14  }
0x34: {  	s17 =	smul.u32 @!p1 s17, s18;
	s18 =	sadd.s32 $0x400, s15;
	p2 =	sgt.s32 s21, $0x31  }
0x35: {  	p0 =	por !p0, !p0;
	s23 =	simm.s32 @!p1 $0x2;
	s22 =	smov.u32 @p2 s18  }
0x36: {  	s20 =	smov.u32 @p3 s7;
	s21 =	simm.s32 @p2 $0x0;
	p2 =	sgt.s32 s22, $0x3FF  }
0x37: {  	s19 =	smov.u32 s11;
	s22 =	smov.u32 @p2 s3;
	p2 =	sne.s32 s16, s8  }
.Ltmp1:
0x38: {  	s11 =	smov.u32 s14;
	s17 =	sand.u32 @!p1 $0x3FFFFFFF, s17;
	(pc) =	sbr.rel @!p2 .LBB1_6-.Ltmp1, $4  }
0x39: {  	s18 =	smov.u32 s12;
	s12 =	smov.u32 s15;
	_ =	swait.ge @!p1 [sflag:s23], s17  }
0x3a: {  	s24 =	ssub.s32 @!p1 $0x0, s17;
	s17 =	smov.u32 s10;
	s10 =	smov.u32 s13  }
0x3b: {  	s13 =	smov.u32 s20;
	s14 =	smov.u32 s21;
	[sflag:s23] =	ssyncset.done @!p1 $0x0  }
0x3c: {  	s16 =	sadd.s32 $0x1, s16;
	[sflag:s23] =	ssyncadd.s32 @!p1 s24;
	s15 =	smov.u32 s22  }
.LBB1_1:
0x3d: {  	p1 =	sge.u32 s16, s6  }
0x3e: {  	s20 =	sshll.u32 @!p1 s14, $0xA  }
0x3f: {  	s21 =	sshll.u32 @!p1 s13, $0x3;
	s20 =	sand.u32 @!p1 $0xFFFFE000, s20  }
0x40: {  	s20 =	sadd.s32 @!p1 s20, s21  }
0x41: {  	s20 =	sshrl.u32 @!p1 s20, $0xA  }
0x42: {  	s21 =	smulhi.u32 @!p1 $0x4924925, s20  }
0x43: {  	s22 =	sshll.u32 @!p1 s14, $0x7;
	s24 =	smul.u32 @!p1 $0x1C00, s15  }
0x44: {  	s23 =	sand.u32 @!p1 $0x78, s13;
	s22 =	sand.u32 @!p1 $0x380, s22;
	s21 =	smul.u32 @!p1 $0x38, s21  }
0x45: {  	s31 =	sadd.s32 $0xFFFFFFFF, s16;
	s22 =	sor.u32 @!p1 s23, s22;
	s23 =	sadd.s32 @!p1 s4, s24  }
0x46: {  	s22 =	sshrl.u32 @!p1 s22, $0x3;
	s20 =	ssub.s32 @!p1 s20, s21;
	s21 =	sxor.u32 @!p1 $0xFFFFFFFF, s16  }
0x47: {  	s22 =	sadd.s32 @!p1 s22, s23;
	s23 =	sand.u32 @!p1 $0x7, s13;
	s21 =	sshll.u32 @!p1 s21, $0xE  }
0x48: {  	s23 =	sshll.u32 @!p1 s23, $0x12;
	s20 =	sshll.u32 @!p1 s20, $0x7;
	s21 =	sand.u32 @!p1 $0x4000, s21  }
0x49: {  	s20 =	sadd.s32 @!p1 s20, s22;
	s22 =	sor.u32 @!p1 $0x80, s23;
	s23 =	simm.s32 @!p1 $0xE000  }
0x4a: {  	[tilespmem:s21], [sflag:$0x1] =	stream.strided.gather @!p1 [hbm4b:s20+s22], $0x4000, s23, s22, $0x38;
	[tilespmem:$0x10100] =	vst v63  }
0x4b: {  	p1 =	sge.u32 s31, s6  }
.Ltmp2:
0x4c: {  	_ = 	snop;
	(pc) =	sbr.rel @p1 .LBB1_5-.Ltmp2, $1  }
0x4d: {  	_ =	sdelay $0x3  }
0x4e: {  	s20 =	simm.s32 $0x1  }
0x4f: {  	_ =	swait.ge [sflag:s5], $0x4000;
	s20 =	simm.s32 @!p0 $0x0  }
0x50: {  	[sflag:s5] =	ssyncset.done $0x0;
	s21 =	sshll.u32 s20, $0xE  }
0x51: {  	[sflag:s5] =	ssyncadd.s32 $0xFFFFC000;
	s21 =	sor.u32 $0x40, s21  }
0x52: {  	s20 =	smul.u32 $0x10200, s20;
	v0 =	vld [tilespmem:s21+$0x30]  }
0x53: {  	v1 =	vld [tilespmem:s21+$0xFFFFFFD0]  }
0x54: {  	s20 =	sshrl.u32 s20, $0x2;
	v5 =	vld [tilespmem:s21+$0xFFFFFFE0]  }
0x55: {  	v6 =	vld [tilespmem:s21+$0xFFFFFFF0];
	s23 =	sor.u32 $0x8000, s20  }
0x56: {  	s31 =	sand.u32 $0x1, s16;
	v4 =	vld [tilespmem:s21+$0x0];
	s22 =	sadd.s32 $0x0, s23  }
0x57: {  	v3 =	vld [tilespmem:s21+$0x10];
	s20 =	smul.u32 $0x10200, s31;
	[tilespmem:s22+$0x3870 ss:$0x81] =	vst.msk $0xffff, v0  }
0x58: {  	v2 =	vld [tilespmem:s21+$0x20];
	[tilespmem:s22+$0x810 ss:$0x81] =	vst.msk $0xffff, v1  }
0x59: {  	s20 =	sshrl.u32 s20, $0x2;
	v1 =	vld [tilespmem:s21+$0xFFFFFFC0];
	[tilespmem:s22+$0x1020 ss:$0x81] =	vst.msk $0xffff, v5;
	s21 =	sadd.s32 $0x80, s21  }
0x5a: {  	s24 =	simm.s32 $0x4;
	s25 =	simm.s32 $0x8;
	s20 =	sor.u32 $0x8000, s20;
	[tilespmem:s22+$0x1830 ss:$0x81] =	vst.msk $0xffff, v6;
	v0 =	vld [tilespmem:s21+$0x30]  }
.LBB1_3:
0x5b: {  	p1 =	sne.s32 s25, $0x1FC;
	v5 =	vld [tilespmem:s21+$0xFFFFFFD0];
	[tilespmem:s22+$0x2040 ss:$0x81] =	vst.msk $0xffff, v4  }
0x5c: {  	v6 =	vld [tilespmem:s21+$0xFFFFFFE0];
	[tilespmem:s22+$0x2850 ss:$0x81] =	vst.msk $0xffff, v3  }
0x5d: {  	s26 =	sshra.s32 s24, $0x2;
	s24 =	smov.u32 s25;
	v7 =	vld [tilespmem:s21+$0xFFFFFFF0];
	[tilespmem:s22+$0x3060 ss:$0x81] =	vst.msk $0xffff, v2  }
.Ltmp3:
0x5e: {  	v4 =	vld [tilespmem:s21+$0x0];
	[tilespmem:s22+$0x0 ss:$0x81] =	vst.msk $0xffff, v1;
	s22 =	sadd.s32 s26, s23;
	(pc) =	sbr.rel @p1 .LBB1_3-.Ltmp3, $4  }
0x5f: {  	v3 =	vld [tilespmem:s21+$0x10];
	[tilespmem:s22+$0x3870 ss:$0x81] =	vst.msk $0xffff, v0  }
0x60: {  	[tilespmem:s22+$0x810 ss:$0x81] =	vst.msk $0xffff, v5;
	v2 =	vld [tilespmem:s21+$0x20]  }
0x61: {  	v1 =	vld [tilespmem:s21+$0xFFFFFFC0];
	[tilespmem:s22+$0x1020 ss:$0x81] =	vst.msk $0xffff, v6;
	s21 =	sadd.s32 $0x80, s21  }
0x62: {  	s25 =	sadd.s32 $0x4, s25;
	v0 =	vld [tilespmem:s21+$0x30];
	[tilespmem:s22+$0x1830 ss:$0x81] =	vst.msk $0xffff, v7  }
.Ltmp4:
0x63: {  	_ = 	snop;
	(pc) =	sbr.rel .LBB1_4-.Ltmp4, $1  }
0x64: {  	_ =	sdelay $0x3  }
.LBB1_6:
0x65: {  	_ =	sfence.sel $0x180000  }
0x66: {  	s2 =	simm.s32 $0x1;
	[bflag:$0x0] =	sbarrier.arrive $0xFFFF  }
0x67: {  	s31 =	simm.s32 $0x2;
	[sflag:s2] =	ssyncpa.u1 $0x1  }
0x68: {  	[sflag:s31] =	ssyncpa.u1 $0x1  }
0x69: {  	p0 =	sne.s32 s0, $0x0;
	_ =	strace $0x9000004A  }
0x6a: {  	s0 =	sadd.s32 @!p0 $0x100000, s1;
	[bflag:$0x2] =	sbarrier.arrive $0xFFFF  }
0x6b: {  	[sflag:s0] =	ssyncadd.tile.s32 @!p0 $0x1;
	_ =	shalt  }
.Lfunc_end1:
_tile_overlayer_lowered:
.L_overlay_start_2:
0x6c: {  	(tag) =	ssettag $0x2  }
0x6d: {  	s0 =	rddreg [dreg:$0x0];
	s2 =	stileid.u32  }
0x6e: {  	s1 =	rddreg [dreg:$0x1];
	p0 =	sne.s32 s2, $0x0  }
0x6f: {  	s3 =	rddreg [dreg:$0x2];
	[bflag:$0x3] =	sbarrier.arrive $0xFFFF;
	s2 =	simm.s32 @!p0 $0x1C01  }
0x70: {  	[timem:s3], [sflag:s2] =	dma.local @!p0 [hbm:s0], s1  }
0x71: {  	s0 =	simm.s32 @!p0 $0x1  }
0x72: {  	_ =	swait.ge @!p0 [sflag:s0], s1  }
0x73: {  	s1 =	ssub.s32 @!p0 $0x0, s1;
	[sflag:s0] =	ssyncset.done @!p0 $0x0  }
0x74: {  	[sflag:s0] =	ssyncadd.s32 @!p0 s1  }
0x75: {  	[bflag:$0x3] =	sbarrier.arrive $0xFFFF  }
0x76: {  	_ =	shalt  }

</sc_bundles>
